<compile_context>
chip_gen: v7x
topology: tpu7x:2x2x1
jax: 0.10.2.dev20260603
libtpu: 0.0.44.dev20260713+nightly
codegen_flags: <defaults>
</compile_context>

<pallas_src>
import functools

import jax
import jax.numpy as jnp
from jax import lax
from jax.experimental import pallas as pl
from jax.experimental.pallas import tpu as pltpu
from jax.experimental.pallas import tpu_sc as plsc

VOCAB = 1000000
EMB = 64
BATCH = 4096
SEQ = 200
NCLS = 128

NC = 2
NS = 16
NW = NC * NS
BPW = BATCH // NW
CHL0 = 128
CHL1 = SEQ - CHL0
LANES = 16
KV = EMB // LANES


def _sc_pool(x0, x1, table):
    mesh = plsc.VectorSubcoreMesh(core_axis_name="c", subcore_axis_name="s")

    @functools.partial(
        pl.kernel,
        out_type=jax.ShapeDtypeStruct((BATCH, EMB), jnp.float32),
        mesh=mesh,
        compiler_params=pltpu.CompilerParams(use_tc_tiling_on_sc=False),
        scratch_types=[
            pltpu.VMEM((BPW, CHL0), jnp.int32),
            pltpu.VMEM((BPW, CHL1), jnp.int32),
            pltpu.VMEM((SEQ, EMB), jnp.float32),
            pltpu.VMEM((SEQ, EMB), jnp.float32),
            pltpu.VMEM((BPW, EMB), jnp.float32),
            pltpu.SemaphoreType.DMA,
            pltpu.SemaphoreType.DMA,
        ],
    )
    def k(x0_hbm, x1_hbm, tab_hbm, out_hbm,
          idx0_v, idx1_v, rows_a, rows_b, out_v, sem_a, sem_b):
        wid = lax.axis_index("s") * NC + lax.axis_index("c")
        base = wid * BPW
        pltpu.sync_copy(x0_hbm.at[pl.ds(base, BPW)], idx0_v)
        pltpu.sync_copy(x1_hbm.at[pl.ds(base, BPW), pl.ds(0, CHL1)], idx1_v)

        def copies(b, rows, sem):
            return (
                pltpu.make_async_copy(
                    tab_hbm.at[idx0_v.at[b]],
                    rows.at[pl.ds(0, CHL0)], sem),
                pltpu.make_async_copy(
                    tab_hbm.at[idx1_v.at[b]],
                    rows.at[pl.ds(CHL0, CHL1)], sem),
            )

        def start(b, rows, sem):
            for c in copies(b, rows, sem):
                c.start()

        def wait(b, rows, sem):
            for c in copies(b, rows, sem):
                c.wait()

        def reduce(b, rows):
            def red(j, accs):
                out = []
                for g in range(2):
                    r = 2 * j + g
                    for kk in range(KV):
                        out.append(accs[g * KV + kk]
                                   + rows[r, pl.ds(LANES * kk, LANES)])
                return tuple(out)

            accs = lax.fori_loop(
                0, SEQ // 2, red,
                tuple(jnp.zeros((LANES,), jnp.float32) for _ in range(2 * KV)),
                unroll=4)
            for kk in range(KV):
                out_v[b, pl.ds(LANES * kk, LANES)] = accs[kk] + accs[KV + kk]

        start(0, rows_a, sem_a)

        def body(i, carry):
            b0 = 2 * i
            start(b0 + 1, rows_b, sem_b)
            wait(b0, rows_a, sem_a)
            reduce(b0, rows_a)

            @pl.when(b0 + 2 < BPW)
            def _():
                start(b0 + 2, rows_a, sem_a)

            wait(b0 + 1, rows_b, sem_b)
            reduce(b0 + 1, rows_b)
            return carry

        lax.fori_loop(0, BPW // 2, body, 0)
        pltpu.sync_copy(out_v, out_hbm.at[pl.ds(base, BPW)])

    return k(x0, x1, table)


def _tc_head(pooled, x, row0, xlf, W2, b2):
    R = 512

    def body(p_ref, x_ref, r0_ref, xl_ref, w_ref, b_ref, o_ref):
        n0 = jnp.sum(jnp.where(x_ref[...] == 0, 1.0, 0.0),
                     axis=1, keepdims=True)
        e = (p_ref[...] - n0 * r0_ref[...]) / xl_ref[...]
        logits = jnp.dot(e, w_ref[...], preferred_element_type=jnp.float32)
        logits = logits + b_ref[...]
        m = jnp.max(logits, axis=1, keepdims=True)
        z = logits - m
        lse = jnp.log(jnp.sum(jnp.exp(z), axis=1, keepdims=True))
        o_ref[...] = z - lse

    return pl.pallas_call(
        body,
        grid=(BATCH // R,),
        in_specs=[
            pl.BlockSpec((R, EMB), lambda i: (i, 0)),
            pl.BlockSpec((R, SEQ), lambda i: (i, 0)),
            pl.BlockSpec((1, EMB), lambda i: (0, 0)),
            pl.BlockSpec((R, 1), lambda i: (i, 0)),
            pl.BlockSpec((EMB, NCLS), lambda i: (0, 0)),
            pl.BlockSpec((1, NCLS), lambda i: (0, 0)),
        ],
        out_specs=pl.BlockSpec((R, NCLS), lambda i: (i, 0)),
        out_shape=jax.ShapeDtypeStruct((BATCH, NCLS), jnp.float32),
    )(pooled, x, row0, xlf, W2, b2)


def kernel(x, x_len, table, gamma, beta, running_mean, running_var, W_fc, b_fc):
    x0 = lax.slice(x, (0, 0), (BATCH, CHL0))
    x1 = jnp.pad(lax.slice(x, (0, CHL0), (BATCH, SEQ)),
                 ((0, 0), (0, CHL0 - CHL1)))
    pooled = _sc_pool(x0, x1, table)
    row0 = lax.slice(table, (0, 0), (1, EMB))
    s = gamma * lax.rsqrt(running_var + 1e-5)
    t = beta - running_mean * s
    W2 = (W_fc * s[None, :]).T
    b2 = (t @ W_fc.T + b_fc)[None, :]
    xlf = x_len.astype(jnp.float32).reshape(BATCH, 1)
    return _tc_head(pooled, x, row0, xlf, W2, b2)

# --- scband reference (transcript-rebuilt; emitter-appended) ---
"""Pipeline reference for scband-fast-text-26774826123412 (READ-ONLY COPY).

The authoritative reference and input builder live on the scoring server;
editing this copy changes nothing except your own understanding.
"""

import jax, jax.numpy as jnp
import numpy as np

VOCAB = 1000000
EMB = 64
BATCH = 4096
SEQ = 200
NCLS = 128

def setup_inputs(seed: int = 0) -> dict:
    key = jax.random.key(seed)
    k1, k2, k3, k4, k5 = jax.random.split(key, 5)
    x = jax.random.randint(k1, (BATCH, SEQ), 0, VOCAB, dtype=jnp.int32)
    x_len = jax.random.randint(k2, (BATCH,), 1, SEQ + 1, dtype=jnp.int32)
    table = jax.random.normal(k3, (VOCAB, EMB), dtype=jnp.float32) * 0.02
    gamma = jnp.ones((EMB,), dtype=jnp.float32)
    beta = jnp.zeros((EMB,), dtype=jnp.float32)
    running_mean = jnp.zeros((EMB,), dtype=jnp.float32)
    running_var = jnp.ones((EMB,), dtype=jnp.float32)
    W_fc = jax.random.normal(k4, (NCLS, EMB), dtype=jnp.float32) * (1.0 / np.sqrt(EMB))
    b_fc = jax.random.uniform(k5, (NCLS,), dtype=jnp.float32)
    return {"x": x, "x_len": x_len, "table": table, "gamma": gamma, "beta": beta,
            "running_mean": running_mean, "running_var": running_var,
            "W_fc": W_fc, "b_fc": b_fc}

def reference(x, x_len, table, gamma, beta, running_mean, running_var, W_fc, b_fc):
    # padding_idx=0: row 0 of the embedding table is zero
    table = table.at[0].set(0.0)
    # bag-of-ngrams embedding lookup (SparseCore gather) + sum pooling
    embed = jnp.take(table, x, axis=0)          # [B, L, D]
    embed = jnp.sum(embed, axis=1)              # [B, D]
    # normalize by sequence length
    xl = x_len.astype(jnp.float32)[:, None]     # [B, 1]
    embed = embed / xl
    # dropout p=0.5, eval mode -> identity
    # BatchNorm1d, eval mode (running statistics)
    embed = (embed - running_mean[None, :]) / jnp.sqrt(running_var[None, :] + 1e-5)
    embed = embed * gamma[None, :] + beta[None, :]
    # final linear + log_softmax
    out = embed @ W_fc.T + b_fc[None, :]
    return jax.nn.log_softmax(out, axis=1)

if __name__ == "__main__":
    import jax
    _d = setup_inputs()
    print(jax.jit(kernel)(*tuple(_d.values())))

</pallas_src>

<mosaic_0001>
#map = affine_map<(d0, d1) -> (0, 0)>
module attributes {stable_mosaic.version = 14 : i64} {
  func.func @k(%arg0: i32, %arg1: i32, %arg2: memref<4096x128xi32, #tpu.memory_space<hbm>>, %arg3: memref<4096x128xi32, #tpu.memory_space<hbm>>, %arg4: memref<1000000x64xf32, #tpu.memory_space<hbm>>, %arg5: memref<4096x64xf32, #tpu.memory_space<hbm>>, %arg6: memref<128x128xi32, #tpu.memory_space<vmem>>, %arg7: memref<128x72xi32, #tpu.memory_space<vmem>>, %arg8: memref<200x64xf32, #tpu.memory_space<vmem>>, %arg9: memref<200x64xf32, #tpu.memory_space<vmem>>, %arg10: memref<128x64xf32, #tpu.memory_space<vmem>>, %arg11: memref<!tpu.dma_semaphore, #tpu.memory_space<semaphore_mem>>, %arg12: memref<!tpu.dma_semaphore, #tpu.memory_space<semaphore_mem>>) attributes {dimension_semantics = [#tpu.dimension_semantics<core_parallel>, #tpu.dimension_semantics<subcore_parallel>], iteration_bounds = array<i64: 2, 16>, scalar_prefetch = 0 : i64, scratch_operands = 7 : i64, tpu.core_type = #tpu.core_type<sc_vector_subcore>, window_params = [{transform_indices = #map}, {transform_indices = #map}, {transform_indices = #map}, {transform_indices = #map}]} {
    %mul3A = arith.constant 2 : i32
    %mul3A_0 = arith.muli %arg1, %mul3A : i32
    %add3A = arith.addi %mul3A_0, %arg0 : i32
    %mul3A_1 = arith.constant 128 : i32
    %mul3A_2 = arith.muli %add3A, %mul3A_1 : i32
    "tpu.region"() ({
      %run_scoped3A = tpu.sem_alloc : memref<!tpu.dma_semaphore, #tpu.memory_space<semaphore_mem>>
      %dma_start3A_27 = arith.constant 0 : i32
      %dma_start3A_28 = tpu.memref_slice %arg2[%mul3A_2, %dma_start3A_27] : memref<4096x128xi32, #tpu.memory_space<hbm>> -> memref<128x128xi32, #tpu.memory_space<hbm>>
      %dma_start3A_29 = arith.constant 0 : i32
      %dma_start3A_30 = tpu.memref_slice %arg2[%mul3A_2, %dma_start3A_29] : memref<4096x128xi32, #tpu.memory_space<hbm>> -> memref<128x128xi32, #tpu.memory_space<hbm>>
      tpu.enqueue_dma source(%dma_start3A_30 : memref<128x128xi32, #tpu.memory_space<hbm>>) target(%arg6 : memref<128x128xi32, #tpu.memory_space<vmem>>) target_semaphore(%run_scoped3A : memref<!tpu.dma_semaphore, #tpu.memory_space<semaphore_mem>>)
      %dma_wait3A = arith.constant 0 : i32
      %dma_wait3A_31 = tpu.memref_slice %arg2[%mul3A_2, %dma_wait3A] : memref<4096x128xi32, #tpu.memory_space<hbm>> -> memref<128x128xi32, #tpu.memory_space<hbm>>
      %dma_wait3A_32 = arith.constant 0 : i32
      %dma_wait3A_33 = tpu.memref_slice %arg2[%mul3A_2, %dma_wait3A_32] : memref<4096x128xi32, #tpu.memory_space<hbm>> -> memref<128x128xi32, #tpu.memory_space<hbm>>
      tpu.wait_dma2 semaphore(%run_scoped3A : memref<!tpu.dma_semaphore, #tpu.memory_space<semaphore_mem>>) src(%dma_wait3A_33 : memref<128x128xi32, #tpu.memory_space<hbm>>) dst(%arg6 : memref<128x128xi32, #tpu.memory_space<vmem>>)
      tpu.yield
    }) : () -> ()
    "tpu.region"() ({
      %run_scoped3A = tpu.sem_alloc : memref<!tpu.dma_semaphore, #tpu.memory_space<semaphore_mem>>
      %dma_start3A_27 = arith.constant 0 : i32
      %dma_start3A_28 = tpu.memref_slice %arg3[%mul3A_2, %dma_start3A_27] : memref<4096x128xi32, #tpu.memory_space<hbm>> -> memref<128x72xi32, #tpu.memory_space<hbm>>
      %dma_start3A_29 = arith.constant 0 : i32
      %dma_start3A_30 = tpu.memref_slice %arg3[%mul3A_2, %dma_start3A_29] : memref<4096x128xi32, #tpu.memory_space<hbm>> -> memref<128x72xi32, #tpu.memory_space<hbm>>
      tpu.enqueue_dma source(%dma_start3A_30 : memref<128x72xi32, #tpu.memory_space<hbm>>) target(%arg7 : memref<128x72xi32, #tpu.memory_space<vmem>>) target_semaphore(%run_scoped3A : memref<!tpu.dma_semaphore, #tpu.memory_space<semaphore_mem>>)
      %dma_wait3A = arith.constant 0 : i32
      %dma_wait3A_31 = tpu.memref_slice %arg3[%mul3A_2, %dma_wait3A] : memref<4096x128xi32, #tpu.memory_space<hbm>> -> memref<128x72xi32, #tpu.memory_space<hbm>>
      %dma_wait3A_32 = arith.constant 0 : i32
      %dma_wait3A_33 = tpu.memref_slice %arg3[%mul3A_2, %dma_wait3A_32] : memref<4096x128xi32, #tpu.memory_space<hbm>> -> memref<128x72xi32, #tpu.memory_space<hbm>>
      tpu.wait_dma2 semaphore(%run_scoped3A : memref<!tpu.dma_semaphore, #tpu.memory_space<semaphore_mem>>) src(%dma_wait3A_33 : memref<128x72xi32, #tpu.memory_space<hbm>>) dst(%arg7 : memref<128x72xi32, #tpu.memory_space<vmem>>)
      tpu.yield
    }) : () -> ()
    %dma_start3A = arith.constant 0 : i32
    %dma_start3A_3 = arith.constant 0 : i32
    %dma_start3A_4 = arith.constant 0 : i32
    %dma_start3A_5 = tpu.memref_slice %arg8[%dma_start3A_3, %dma_start3A_4] : memref<200x64xf32, #tpu.memory_space<vmem>> -> memref<128x64xf32, #tpu.memory_space<vmem>>
    %dma_start3A_6 = arith.constant 0 : i32
    %dma_start3A_7 = tpu.memref_slice %arg6[%dma_start3A, %dma_start3A_6] : memref<128x128xi32, #tpu.memory_space<vmem>> -> memref<1x128xi32, #tpu.memory_space<vmem>>
    %dma_start3A_8 = tpu.memref_squeeze %dma_start3A_7 : memref<1x128xi32, #tpu.memory_space<vmem>> -> memref<128xi32, #tpu.memory_space<vmem>>
    %dma_start3A_9 = arith.constant 0 : i32
    %dma_start3A_10 = arith.constant 0 : i32
    %dma_start3A_11 = tpu.memref_slice %arg4[%dma_start3A_9, %dma_start3A_10] : memref<1000000x64xf32, #tpu.memory_space<hbm>> -> memref<1000000x64xf32, #tpu.memory_space<hbm>>
    tpu.enqueue_indirect_dma source(%dma_start3A_11 : memref<1000000x64xf32, #tpu.memory_space<hbm>>) target(%dma_start3A_5 : memref<128x64xf32, #tpu.memory_space<vmem>>) offsets(%dma_start3A_8 : memref<128xi32, #tpu.memory_space<vmem>>) semaphore(%arg11 : memref<!tpu.dma_semaphore, #tpu.memory_space<semaphore_mem>>)
    %dma_start3A_12 = arith.constant 0 : i32
    %dma_start3A_13 = arith.constant 128 : i32
    %dma_start3A_14 = arith.constant 0 : i32
    %dma_start3A_15 = tpu.memref_slice %arg8[%dma_start3A_13, %dma_start3A_14] : memref<200x64xf32, #tpu.memory_space<vmem>> -> memref<72x64xf32, #tpu.memory_space<vmem>>
    %dma_start3A_16 = arith.constant 0 : i32
    %dma_start3A_17 = tpu.memref_slice %arg7[%dma_start3A_12, %dma_start3A_16] : memref<128x72xi32, #tpu.memory_space<vmem>> -> memref<1x72xi32, #tpu.memory_space<vmem>>
    %dma_start3A_18 = tpu.memref_squeeze %dma_start3A_17 : memref<1x72xi32, #tpu.memory_space<vmem>> -> memref<72xi32, #tpu.memory_space<vmem>>
    %dma_start3A_19 = arith.constant 0 : i32
    %dma_start3A_20 = arith.constant 0 : i32
    %dma_start3A_21 = tpu.memref_slice %arg4[%dma_start3A_19, %dma_start3A_20] : memref<1000000x64xf32, #tpu.memory_space<hbm>> -> memref<1000000x64xf32, #tpu.memory_space<hbm>>
    tpu.enqueue_indirect_dma source(%dma_start3A_21 : memref<1000000x64xf32, #tpu.memory_space<hbm>>) target(%dma_start3A_15 : memref<72x64xf32, #tpu.memory_space<vmem>>) offsets(%dma_start3A_18 : memref<72xi32, #tpu.memory_space<vmem>>) semaphore(%arg11 : memref<!tpu.dma_semaphore, #tpu.memory_space<semaphore_mem>>)
    %scan3A = arith.constant 0 : i32
    %scan3A_22 = arith.constant 0 : i32
    %scan3A_23 = arith.constant 64 : i32
    %scan3A_24 = arith.addi %scan3A_22, %scan3A_23 : i32
    %scan3A_25 = arith.constant 1 : i32
    scf.for %scan3A_27 = %scan3A_22 to %scan3A_24 step %scan3A_25  : i32 {
      %mul3A_28 = arith.constant 2 : i32
      %mul3A_29 = arith.muli %mul3A_28, %scan3A_27 : i32
      %add3A_30 = arith.constant 1 : i32
      %add3A_31 = arith.addi %mul3A_29, %add3A_30 : i32
      %dma_start3A_32 = arith.constant 0 : i32
      %dma_start3A_33 = arith.constant 0 : i32
      %dma_start3A_34 = tpu.memref_slice %arg9[%dma_start3A_32, %dma_start3A_33] : memref<200x64xf32, #tpu.memory_space<vmem>> -> memref<128x64xf32, #tpu.memory_space<vmem>>
      %dma_start3A_35 = arith.constant 0 : i32
      %dma_start3A_36 = tpu.memref_slice %arg6[%add3A_31, %dma_start3A_35] : memref<128x128xi32, #tpu.memory_space<vmem>> -> memref<1x128xi32, #tpu.memory_space<vmem>>
      %dma_start3A_37 = tpu.memref_squeeze %dma_start3A_36 : memref<1x128xi32, #tpu.memory_space<vmem>> -> memref<128xi32, #tpu.memory_space<vmem>>
      %dma_start3A_38 = arith.constant 0 : i32
      %dma_start3A_39 = arith.constant 0 : i32
      %dma_start3A_40 = tpu.memref_slice %arg4[%dma_start3A_38, %dma_start3A_39] : memref<1000000x64xf32, #tpu.memory_space<hbm>> -> memref<1000000x64xf32, #tpu.memory_space<hbm>>
      tpu.enqueue_indirect_dma source(%dma_start3A_40 : memref<1000000x64xf32, #tpu.memory_space<hbm>>) target(%dma_start3A_34 : memref<128x64xf32, #tpu.memory_space<vmem>>) offsets(%dma_start3A_37 : memref<128xi32, #tpu.memory_space<vmem>>) semaphore(%arg12 : memref<!tpu.dma_semaphore, #tpu.memory_space<semaphore_mem>>)
      %dma_start3A_41 = arith.constant 128 : i32
      %dma_start3A_42 = arith.constant 0 : i32
      %dma_start3A_43 = tpu.memref_slice %arg9[%dma_start3A_41, %dma_start3A_42] : memref<200x64xf32, #tpu.memory_space<vmem>> -> memref<72x64xf32, #tpu.memory_space<vmem>>
      %dma_start3A_44 = arith.constant 0 : i32
      %dma_start3A_45 = tpu.memref_slice %arg7[%add3A_31, %dma_start3A_44] : memref<128x72xi32, #tpu.memory_space<vmem>> -> memref<1x72xi32, #tpu.memory_space<vmem>>
      %dma_start3A_46 = tpu.memref_squeeze %dma_start3A_45 : memref<1x72xi32, #tpu.memory_space<vmem>> -> memref<72xi32, #tpu.memory_space<vmem>>
      %dma_start3A_47 = arith.constant 0 : i32
      %dma_start3A_48 = arith.constant 0 : i32
      %dma_start3A_49 = tpu.memref_slice %arg4[%dma_start3A_47, %dma_start3A_48] : memref<1000000x64xf32, #tpu.memory_space<hbm>> -> memref<1000000x64xf32, #tpu.memory_space<hbm>>
      tpu.enqueue_indirect_dma source(%dma_start3A_49 : memref<1000000x64xf32, #tpu.memory_space<hbm>>) target(%dma_start3A_43 : memref<72x64xf32, #tpu.memory_space<vmem>>) offsets(%dma_start3A_46 : memref<72xi32, #tpu.memory_space<vmem>>) semaphore(%arg12 : memref<!tpu.dma_semaphore, #tpu.memory_space<semaphore_mem>>)
      %dma_wait3A = arith.constant 0 : i32
      %dma_wait3A_50 = arith.constant 0 : i32
      %dma_wait3A_51 = tpu.memref_slice %arg8[%dma_wait3A, %dma_wait3A_50] : memref<200x64xf32, #tpu.memory_space<vmem>> -> memref<128x64xf32, #tpu.memory_space<vmem>>
      %dma_wait3A_52 = arith.constant 0 : i32
      %dma_wait3A_53 = tpu.memref_slice %arg6[%mul3A_29, %dma_wait3A_52] : memref<128x128xi32, #tpu.memory_space<vmem>> -> memref<1x128xi32, #tpu.memory_space<vmem>>
      %dma_wait3A_54 = tpu.memref_squeeze %dma_wait3A_53 : memref<1x128xi32, #tpu.memory_space<vmem>> -> memref<128xi32, #tpu.memory_space<vmem>>
      %dma_wait3A_55 = arith.constant 0 : i32
      %dma_wait3A_56 = arith.constant 0 : i32
      %dma_wait3A_57 = tpu.memref_slice %arg4[%dma_wait3A_55, %dma_wait3A_56] : memref<1000000x64xf32, #tpu.memory_space<hbm>> -> memref<1000000x64xf32, #tpu.memory_space<hbm>>
      tpu.wait_indirect_dma semaphore(%arg11 : memref<!tpu.dma_semaphore, #tpu.memory_space<semaphore_mem>>) src(%dma_wait3A_57 : memref<1000000x64xf32, #tpu.memory_space<hbm>>) dst(%dma_wait3A_51 : memref<128x64xf32, #tpu.memory_space<vmem>>)
      %dma_wait3A_58 = arith.constant 128 : i32
      %dma_wait3A_59 = arith.constant 0 : i32
      %dma_wait3A_60 = tpu.memref_slice %arg8[%dma_wait3A_58, %dma_wait3A_59] : memref<200x64xf32, #tpu.memory_space<vmem>> -> memref<72x64xf32, #tpu.memory_space<vmem>>
      %dma_wait3A_61 = arith.constant 0 : i32
      %dma_wait3A_62 = tpu.memref_slice %arg7[%mul3A_29, %dma_wait3A_61] : memref<128x72xi32, #tpu.memory_space<vmem>> -> memref<1x72xi32, #tpu.memory_space<vmem>>
      %dma_wait3A_63 = tpu.memref_squeeze %dma_wait3A_62 : memref<1x72xi32, #tpu.memory_space<vmem>> -> memref<72xi32, #tpu.memory_space<vmem>>
      %dma_wait3A_64 = arith.constant 0 : i32
      %dma_wait3A_65 = arith.constant 0 : i32
      %dma_wait3A_66 = tpu.memref_slice %arg4[%dma_wait3A_64, %dma_wait3A_65] : memref<1000000x64xf32, #tpu.memory_space<hbm>> -> memref<1000000x64xf32, #tpu.memory_space<hbm>>
      tpu.wait_indirect_dma semaphore(%arg11 : memref<!tpu.dma_semaphore, #tpu.memory_space<semaphore_mem>>) src(%dma_wait3A_66 : memref<1000000x64xf32, #tpu.memory_space<hbm>>) dst(%dma_wait3A_60 : memref<72x64xf32, #tpu.memory_space<vmem>>)
      %broadcast_in_dim3A = arith.constant 0.000000e+00 : f32
      %broadcast_in_dim3A_67 = vector.broadcast %broadcast_in_dim3A : f32 to vector<16xf32>
      %broadcast_in_dim3A_68 = arith.constant 0.000000e+00 : f32
      %broadcast_in_dim3A_69 = vector.broadcast %broadcast_in_dim3A_68 : f32 to vector<16xf32>
      %broadcast_in_dim3A_70 = arith.constant 0.000000e+00 : f32
      %broadcast_in_dim3A_71 = vector.broadcast %broadcast_in_dim3A_70 : f32 to vector<16xf32>
      %broadcast_in_dim3A_72 = arith.constant 0.000000e+00 : f32
      %broadcast_in_dim3A_73 = vector.broadcast %broadcast_in_dim3A_72 : f32 to vector<16xf32>
      %broadcast_in_dim3A_74 = arith.constant 0.000000e+00 : f32
      %broadcast_in_dim3A_75 = vector.broadcast %broadcast_in_dim3A_74 : f32 to vector<16xf32>
      %broadcast_in_dim3A_76 = arith.constant 0.000000e+00 : f32
      %broadcast_in_dim3A_77 = vector.broadcast %broadcast_in_dim3A_76 : f32 to vector<16xf32>
      %broadcast_in_dim3A_78 = arith.constant 0.000000e+00 : f32
      %broadcast_in_dim3A_79 = vector.broadcast %broadcast_in_dim3A_78 : f32 to vector<16xf32>
      %broadcast_in_dim3A_80 = arith.constant 0.000000e+00 : f32
      %broadcast_in_dim3A_81 = vector.broadcast %broadcast_in_dim3A_80 : f32 to vector<16xf32>
      %scan3A_82 = arith.constant 0 : i32
      %scan3A_83 = arith.constant 100 : i32
      %scan3A_84 = arith.addi %scan3A_82, %scan3A_83 : i32
      %scan3A_85 = arith.constant 4 : i32
      %scan3A_86:8 = scf.for %scan3A_183 = %scan3A_82 to %scan3A_84 step %scan3A_85 iter_args(%scan3A_184 = %broadcast_in_dim3A_67, %scan3A_185 = %broadcast_in_dim3A_69, %scan3A_186 = %broadcast_in_dim3A_71, %scan3A_187 = %broadcast_in_dim3A_73, %scan3A_188 = %broadcast_in_dim3A_75, %scan3A_189 = %broadcast_in_dim3A_77, %scan3A_190 = %broadcast_in_dim3A_79, %scan3A_191 = %broadcast_in_dim3A_81) -> (vector<16xf32>, vector<16xf32>, vector<16xf32>, vector<16xf32>, vector<16xf32>, vector<16xf32>, vector<16xf32>, vector<16xf32>)  : i32 {
        %mul3A_192 = arith.constant 2 : i32
        %mul3A_193 = arith.muli %mul3A_192, %scan3A_183 : i32
        %add3A_194 = arith.constant 0 : i32
        %add3A_195 = arith.addi %mul3A_193, %add3A_194 : i32
        %get3A = arith.index_cast %add3A_195 : i32 to index
        %get3A_196 = arith.constant 0 : index
        %get3A_197 = tpu.vector_load %arg8[%get3A, %get3A_196] {strides = array<i32>} : memref<200x64xf32, #tpu.memory_space<vmem>>, vector<1x16xf32>,
        %get3A_198 = vector.shape_cast %get3A_197 : vector<1x16xf32> to vector<16xf32>
        %add3A_199 = arith.addf %scan3A_184, %get3A_198 : vector<16xf32>
        %get3A_200 = arith.index_cast %add3A_195 : i32 to index
        %get3A_201 = arith.constant 16 : index
        %get3A_202 = tpu.vector_load %arg8[%get3A_200, %get3A_201] {strides = array<i32>} : memref<200x64xf32, #tpu.memory_space<vmem>>, vector<1x16xf32>,
        %get3A_203 = vector.shape_cast %get3A_202 : vector<1x16xf32> to vector<16xf32>
        %add3A_204 = arith.addf %scan3A_185, %get3A_203 : vector<16xf32>
        %get3A_205 = arith.index_cast %add3A_195 : i32 to index
        %get3A_206 = arith.constant 32 : index
        %get3A_207 = tpu.vector_load %arg8[%get3A_205, %get3A_206] {strides = array<i32>} : memref<200x64xf32, #tpu.memory_space<vmem>>, vector<1x16xf32>,
        %get3A_208 = vector.shape_cast %get3A_207 : vector<1x16xf32> to vector<16xf32>
        %add3A_209 = arith.addf %scan3A_186, %get3A_208 : vector<16xf32>
        %get3A_210 = arith.index_cast %add3A_195 : i32 to index
        %get3A_211 = arith.constant 48 : index
        %get3A_212 = tpu.vector_load %arg8[%get3A_210, %get3A_211] {strides = array<i32>} : memref<200x64xf32, #tpu.memory_space<vmem>>, vector<1x16xf32>,
        %get3A_213 = vector.shape_cast %get3A_212 : vector<1x16xf32> to vector<16xf32>
        %add3A_214 = arith.addf %scan3A_187, %get3A_213 : vector<16xf32>
        %mul3A_215 = arith.constant 2 : i32
        %mul3A_216 = arith.muli %mul3A_215, %scan3A_183 : i32
        %add3A_217 = arith.constant 1 : i32
        %add3A_218 = arith.addi %mul3A_216, %add3A_217 : i32
        %get3A_219 = arith.index_cast %add3A_218 : i32 to index
        %get3A_220 = arith.constant 0 : index
        %get3A_221 = tpu.vector_load %arg8[%get3A_219, %get3A_220] {strides = array<i32>} : memref<200x64xf32, #tpu.memory_space<vmem>>, vector<1x16xf32>,
        %get3A_222 = vector.shape_cast %get3A_221 : vector<1x16xf32> to vector<16xf32>
        %add3A_223 = arith.addf %scan3A_188, %get3A_222 : vector<16xf32>
        %get3A_224 = arith.index_cast %add3A_218 : i32 to index
        %get3A_225 = arith.constant 16 : index
        %get3A_226 = tpu.vector_load %arg8[%get3A_224, %get3A_225] {strides = array<i32>} : memref<200x64xf32, #tpu.memory_space<vmem>>, vector<1x16xf32>,
        %get3A_227 = vector.shape_cast %get3A_226 : vector<1x16xf32> to vector<16xf32>
        %add3A_228 = arith.addf %scan3A_189, %get3A_227 : vector<16xf32>
        %get3A_229 = arith.index_cast %add3A_218 : i32 to index
        %get3A_230 = arith.constant 32 : index
        %get3A_231 = tpu.vector_load %arg8[%get3A_229, %get3A_230] {strides = array<i32>} : memref<200x64xf32, #tpu.memory_space<vmem>>, vector<1x16xf32>,
        %get3A_232 = vector.shape_cast %get3A_231 : vector<1x16xf32> to vector<16xf32>
        %add3A_233 = arith.addf %scan3A_190, %get3A_232 : vector<16xf32>
        %get3A_234 = arith.index_cast %add3A_218 : i32 to index
        %get3A_235 = arith.constant 48 : index
        %get3A_236 = tpu.vector_load %arg8[%get3A_234, %get3A_235] {strides = array<i32>} : memref<200x64xf32, #tpu.memory_space<vmem>>, vector<1x16xf32>,
        %get3A_237 = vector.shape_cast %get3A_236 : vector<1x16xf32> to vector<16xf32>
        %add3A_238 = arith.addf %scan3A_191, %get3A_237 : vector<16xf32>
        %scan3A_239 = arith.constant 1 : i32
        %scan3A_240 = arith.addi %scan3A_183, %scan3A_239 : i32
        %mul3A_241 = arith.constant 2 : i32
        %mul3A_242 = arith.muli %mul3A_241, %scan3A_240 : i32
        %add3A_243 = arith.constant 0 : i32
        %add3A_244 = arith.addi %mul3A_242, %add3A_243 : i32
        %get3A_245 = arith.index_cast %add3A_244 : i32 to index
        %get3A_246 = arith.constant 0 : index
        %get3A_247 = tpu.vector_load %arg8[%get3A_245, %get3A_246] {strides = array<i32>} : memref<200x64xf32, #tpu.memory_space<vmem>>, vector<1x16xf32>,
        %get3A_248 = vector.shape_cast %get3A_247 : vector<1x16xf32> to vector<16xf32>
        %add3A_249 = arith.addf %add3A_199, %get3A_248 : vector<16xf32>
        %get3A_250 = arith.index_cast %add3A_244 : i32 to index
        %get3A_251 = arith.constant 16 : index
        %get3A_252 = tpu.vector_load %arg8[%get3A_250, %get3A_251] {strides = array<i32>} : memref<200x64xf32, #tpu.memory_space<vmem>>, vector<1x16xf32>,
        %get3A_253 = vector.shape_cast %get3A_252 : vector<1x16xf32> to vector<16xf32>
        %add3A_254 = arith.addf %add3A_204, %get3A_253 : vector<16xf32>
        %get3A_255 = arith.index_cast %add3A_244 : i32 to index
        %get3A_256 = arith.constant 32 : index
        %get3A_257 = tpu.vector_load %arg8[%get3A_255, %get3A_256] {strides = array<i32>} : memref<200x64xf32, #tpu.memory_space<vmem>>, vector<1x16xf32>,
        %get3A_258 = vector.shape_cast %get3A_257 : vector<1x16xf32> to vector<16xf32>
        %add3A_259 = arith.addf %add3A_209, %get3A_258 : vector<16xf32>
        %get3A_260 = arith.index_cast %add3A_244 : i32 to index
        %get3A_261 = arith.constant 48 : index
        %get3A_262 = tpu.vector_load %arg8[%get3A_260, %get3A_261] {strides = array<i32>} : memref<200x64xf32, #tpu.memory_space<vmem>>, vector<1x16xf32>,
        %get3A_263 = vector.shape_cast %get3A_262 : vector<1x16xf32> to vector<16xf32>
        %add3A_264 = arith.addf %add3A_214, %get3A_263 : vector<16xf32>
        %mul3A_265 = arith.constant 2 : i32
        %mul3A_266 = arith.muli %mul3A_265, %scan3A_240 : i32
        %add3A_267 = arith.constant 1 : i32
        %add3A_268 = arith.addi %mul3A_266, %add3A_267 : i32
        %get3A_269 = arith.index_cast %add3A_268 : i32 to index
        %get3A_270 = arith.constant 0 : index
        %get3A_271 = tpu.vector_load %arg8[%get3A_269, %get3A_270] {strides = array<i32>} : memref<200x64xf32, #tpu.memory_space<vmem>>, vector<1x16xf32>,
        %get3A_272 = vector.shape_cast %get3A_271 : vector<1x16xf32> to vector<16xf32>
        %add3A_273 = arith.addf %add3A_223, %get3A_272 : vector<16xf32>
        %get3A_274 = arith.index_cast %add3A_268 : i32 to index
        %get3A_275 = arith.constant 16 : index
        %get3A_276 = tpu.vector_load %arg8[%get3A_274, %get3A_275] {strides = array<i32>} : memref<200x64xf32, #tpu.memory_space<vmem>>, vector<1x16xf32>,
        %get3A_277 = vector.shape_cast %get3A_276 : vector<1x16xf32> to vector<16xf32>
        %add3A_278 = arith.addf %add3A_228, %get3A_277 : vector<16xf32>
        %get3A_279 = arith.index_cast %add3A_268 : i32 to index
        %get3A_280 = arith.constant 32 : index
        %get3A_281 = tpu.vector_load %arg8[%get3A_279, %get3A_280] {strides = array<i32>} : memref<200x64xf32, #tpu.memory_space<vmem>>, vector<1x16xf32>,
        %get3A_282 = vector.shape_cast %get3A_281 : vector<1x16xf32> to vector<16xf32>
        %add3A_283 = arith.addf %add3A_233, %get3A_282 : vector<16xf32>
        %get3A_284 = arith.index_cast %add3A_268 : i32 to index
        %get3A_285 = arith.constant 48 : index
        %get3A_286 = tpu.vector_load %arg8[%get3A_284, %get3A_285] {strides = array<i32>} : memref<200x64xf32, #tpu.memory_space<vmem>>, vector<1x16xf32>,
        %get3A_287 = vector.shape_cast %get3A_286 : vector<1x16xf32> to vector<16xf32>
        %add3A_288 = arith.addf %add3A_238, %get3A_287 : vector<16xf32>
        %scan3A_289 = arith.constant 2 : i32
        %scan3A_290 = arith.addi %scan3A_183, %scan3A_289 : i32
        %mul3A_291 = arith.constant 2 : i32
        %mul3A_292 = arith.muli %mul3A_291, %scan3A_290 : i32
        %add3A_293 = arith.constant 0 : i32
        %add3A_294 = arith.addi %mul3A_292, %add3A_293 : i32
        %get3A_295 = arith.index_cast %add3A_294 : i32 to index
        %get3A_296 = arith.constant 0 : index
        %get3A_297 = tpu.vector_load %arg8[%get3A_295, %get3A_296] {strides = array<i32>} : memref<200x64xf32, #tpu.memory_space<vmem>>, vector<1x16xf32>,
        %get3A_298 = vector.shape_cast %get3A_297 : vector<1x16xf32> to vector<16xf32>
        %add3A_299 = arith.addf %add3A_249, %get3A_298 : vector<16xf32>
        %get3A_300 = arith.index_cast %add3A_294 : i32 to index
        %get3A_301 = arith.constant 16 : index
        %get3A_302 = tpu.vector_load %arg8[%get3A_300, %get3A_301] {strides = array<i32>} : memref<200x64xf32, #tpu.memory_space<vmem>>, vector<1x16xf32>,
        %get3A_303 = vector.shape_cast %get3A_302 : vector<1x16xf32> to vector<16xf32>
        %add3A_304 = arith.addf %add3A_254, %get3A_303 : vector<16xf32>
        %get3A_305 = arith.index_cast %add3A_294 : i32 to index
        %get3A_306 = arith.constant 32 : index
        %get3A_307 = tpu.vector_load %arg8[%get3A_305, %get3A_306] {strides = array<i32>} : memref<200x64xf32, #tpu.memory_space<vmem>>, vector<1x16xf32>,
        %get3A_308 = vector.shape_cast %get3A_307 : vector<1x16xf32> to vector<16xf32>
        %add3A_309 = arith.addf %add3A_259, %get3A_308 : vector<16xf32>
        %get3A_310 = arith.index_cast %add3A_294 : i32 to index
        %get3A_311 = arith.constant 48 : index
        %get3A_312 = tpu.vector_load %arg8[%get3A_310, %get3A_311] {strides = array<i32>} : memref<200x64xf32, #tpu.memory_space<vmem>>, vector<1x16xf32>,
        %get3A_313 = vector.shape_cast %get3A_312 : vector<1x16xf32> to vector<16xf32>
        %add3A_314 = arith.addf %add3A_264, %get3A_313 : vector<16xf32>
        %mul3A_315 = arith.constant 2 : i32
        %mul3A_316 = arith.muli %mul3A_315, %scan3A_290 : i32
        %add3A_317 = arith.constant 1 : i32
        %add3A_318 = arith.addi %mul3A_316, %add3A_317 : i32
        %get3A_319 = arith.index_cast %add3A_318 : i32 to index
        %get3A_320 = arith.constant 0 : index
        %get3A_321 = tpu.vector_load %arg8[%get3A_319, %get3A_320] {strides = array<i32>} : memref<200x64xf32, #tpu.memory_space<vmem>>, vector<1x16xf32>,
        %get3A_322 = vector.shape_cast %get3A_321 : vector<1x16xf32> to vector<16xf32>
        %add3A_323 = arith.addf %add3A_273, %get3A_322 : vector<16xf32>
        %get3A_324 = arith.index_cast %add3A_318 : i32 to index
        %get3A_325 = arith.constant 16 : index
        %get3A_326 = tpu.vector_load %arg8[%get3A_324, %get3A_325] {strides = array<i32>} : memref<200x64xf32, #tpu.memory_space<vmem>>, vector<1x16xf32>,
        %get3A_327 = vector.shape_cast %get3A_326 : vector<1x16xf32> to vector<16xf32>
        %add3A_328 = arith.addf %add3A_278, %get3A_327 : vector<16xf32>
        %get3A_329 = arith.index_cast %add3A_318 : i32 to index
        %get3A_330 = arith.constant 32 : index
        %get3A_331 = tpu.vector_load %arg8[%get3A_329, %get3A_330] {strides = array<i32>} : memref<200x64xf32, #tpu.memory_space<vmem>>, vector<1x16xf32>,
        %get3A_332 = vector.shape_cast %get3A_331 : vector<1x16xf32> to vector<16xf32>
        %add3A_333 = arith.addf %add3A_283, %get3A_332 : vector<16xf32>
        %get3A_334 = arith.index_cast %add3A_318 : i32 to index
        %get3A_335 = arith.constant 48 : index
        %get3A_336 = tpu.vector_load %arg8[%get3A_334, %get3A_335] {strides = array<i32>} : memref<200x64xf32, #tpu.memory_space<vmem>>, vector<1x16xf32>,
        %get3A_337 = vector.shape_cast %get3A_336 : vector<1x16xf32> to vector<16xf32>
        %add3A_338 = arith.addf %add3A_288, %get3A_337 : vector<16xf32>
        %scan3A_339 = arith.constant 3 : i32
        %scan3A_340 = arith.addi %scan3A_183, %scan3A_339 : i32
        %mul3A_341 = arith.constant 2 : i32
        %mul3A_342 = arith.muli %mul3A_341, %scan3A_340 : i32
        %add3A_343 = arith.constant 0 : i32
        %add3A_344 = arith.addi %mul3A_342, %add3A_343 : i32
        %get3A_345 = arith.index_cast %add3A_344 : i32 to index
        %get3A_346 = arith.constant 0 : index
        %get3A_347 = tpu.vector_load %arg8[%get3A_345, %get3A_346] {strides = array<i32>} : memref<200x64xf32, #tpu.memory_space<vmem>>, vector<1x16xf32>,
        %get3A_348 = vector.shape_cast %get3A_347 : vector<1x16xf32> to vector<16xf32>
        %add3A_349 = arith.addf %add3A_299, %get3A_348 : vector<16xf32>
        %get3A_350 = arith.index_cast %add3A_344 : i32 to index
        %get3A_351 = arith.constant 16 : index
        %get3A_352 = tpu.vector_load %arg8[%get3A_350, %get3A_351] {strides = array<i32>} : memref<200x64xf32, #tpu.memory_space<vmem>>, vector<1x16xf32>,
        %get3A_353 = vector.shape_cast %get3A_352 : vector<1x16xf32> to vector<16xf32>
        %add3A_354 = arith.addf %add3A_304, %get3A_353 : vector<16xf32>
        %get3A_355 = arith.index_cast %add3A_344 : i32 to index
        %get3A_356 = arith.constant 32 : index
        %get3A_357 = tpu.vector_load %arg8[%get3A_355, %get3A_356] {strides = array<i32>} : memref<200x64xf32, #tpu.memory_space<vmem>>, vector<1x16xf32>,
        %get3A_358 = vector.shape_cast %get3A_357 : vector<1x16xf32> to vector<16xf32>
        %add3A_359 = arith.addf %add3A_309, %get3A_358 : vector<16xf32>
        %get3A_360 = arith.index_cast %add3A_344 : i32 to index
        %get3A_361 = arith.constant 48 : index
        %get3A_362 = tpu.vector_load %arg8[%get3A_360, %get3A_361] {strides = array<i32>} : memref<200x64xf32, #tpu.memory_space<vmem>>, vector<1x16xf32>,
        %get3A_363 = vector.shape_cast %get3A_362 : vector<1x16xf32> to vector<16xf32>
        %add3A_364 = arith.addf %add3A_314, %get3A_363 : vector<16xf32>
        %mul3A_365 = arith.constant 2 : i32
        %mul3A_366 = arith.muli %mul3A_365, %scan3A_340 : i32
        %add3A_367 = arith.constant 1 : i32
        %add3A_368 = arith.addi %mul3A_366, %add3A_367 : i32
        %get3A_369 = arith.index_cast %add3A_368 : i32 to index
        %get3A_370 = arith.constant 0 : index
        %get3A_371 = tpu.vector_load %arg8[%get3A_369, %get3A_370] {strides = array<i32>} : memref<200x64xf32, #tpu.memory_space<vmem>>, vector<1x16xf32>,
        %get3A_372 = vector.shape_cast %get3A_371 : vector<1x16xf32> to vector<16xf32>
        %add3A_373 = arith.addf %add3A_323, %get3A_372 : vector<16xf32>
        %get3A_374 = arith.index_cast %add3A_368 : i32 to index
        %get3A_375 = arith.constant 16 : index
        %get3A_376 = tpu.vector_load %arg8[%get3A_374, %get3A_375] {strides = array<i32>} : memref<200x64xf32, #tpu.memory_space<vmem>>, vector<1x16xf32>,
        %get3A_377 = vector.shape_cast %get3A_376 : vector<1x16xf32> to vector<16xf32>
        %add3A_378 = arith.addf %add3A_328, %get3A_377 : vector<16xf32>
        %get3A_379 = arith.index_cast %add3A_368 : i32 to index
        %get3A_380 = arith.constant 32 : index
        %get3A_381 = tpu.vector_load %arg8[%get3A_379, %get3A_380] {strides = array<i32>} : memref<200x64xf32, #tpu.memory_space<vmem>>, vector<1x16xf32>,
        %get3A_382 = vector.shape_cast %get3A_381 : vector<1x16xf32> to vector<16xf32>
        %add3A_383 = arith.addf %add3A_333, %get3A_382 : vector<16xf32>
        %get3A_384 = arith.index_cast %add3A_368 : i32 to index
        %get3A_385 = arith.constant 48 : index
        %get3A_386 = tpu.vector_load %arg8[%get3A_384, %get3A_385] {strides = array<i32>} : memref<200x64xf32, #tpu.memory_space<vmem>>, vector<1x16xf32>,
        %get3A_387 = vector.shape_cast %get3A_386 : vector<1x16xf32> to vector<16xf32>
        %add3A_388 = arith.addf %add3A_338, %get3A_387 : vector<16xf32>
        scf.yield %add3A_349, %add3A_354, %add3A_359, %add3A_364, %add3A_373, %add3A_378, %add3A_383, %add3A_388 : vector<16xf32>, vector<16xf32>, vector<16xf32>, vector<16xf32>, vector<16xf32>, vector<16xf32>, vector<16xf32>, vector<16xf32>
      }
      %scan3A_87 = arith.constant 100 : i32
      %add3A_88 = arith.addf %scan3A_86#0, %scan3A_86#4 : vector<16xf32>
      %swap3A = arith.index_cast %mul3A_29 : i32 to index
      %swap3A_89 = arith.constant 0 : index
      %swap3A_90 = tpu.vector_load %arg10[%swap3A, %swap3A_89] {strides = array<i32>} : memref<128x64xf32, #tpu.memory_space<vmem>>, vector<1x16xf32>,
      %swap3A_91 = vector.shape_cast %swap3A_90 : vector<1x16xf32> to vector<16xf32>
      %swap3A_92 = vector.shape_cast %add3A_88 : vector<16xf32> to vector<1x16xf32>
      tpu.vector_store %arg10[%swap3A, %swap3A_89], %swap3A_92 {strides = array<i32>} : memref<128x64xf32, #tpu.memory_space<vmem>>, vector<1x16xf32>,
      %add3A_93 = arith.addf %scan3A_86#1, %scan3A_86#5 : vector<16xf32>
      %swap3A_94 = arith.index_cast %mul3A_29 : i32 to index
      %swap3A_95 = arith.constant 16 : index
      %swap3A_96 = tpu.vector_load %arg10[%swap3A_94, %swap3A_95] {strides = array<i32>} : memref<128x64xf32, #tpu.memory_space<vmem>>, vector<1x16xf32>,
      %swap3A_97 = vector.shape_cast %swap3A_96 : vector<1x16xf32> to vector<16xf32>
      %swap3A_98 = vector.shape_cast %add3A_93 : vector<16xf32> to vector<1x16xf32>
      tpu.vector_store %arg10[%swap3A_94, %swap3A_95], %swap3A_98 {strides = array<i32>} : memref<128x64xf32, #tpu.memory_space<vmem>>, vector<1x16xf32>,
      %add3A_99 = arith.addf %scan3A_86#2, %scan3A_86#6 : vector<16xf32>
      %swap3A_100 = arith.index_cast %mul3A_29 : i32 to index
      %swap3A_101 = arith.constant 32 : index
      %swap3A_102 = tpu.vector_load %arg10[%swap3A_100, %swap3A_101] {strides = array<i32>} : memref<128x64xf32, #tpu.memory_space<vmem>>, vector<1x16xf32>,
      %swap3A_103 = vector.shape_cast %swap3A_102 : vector<1x16xf32> to vector<16xf32>
      %swap3A_104 = vector.shape_cast %add3A_99 : vector<16xf32> to vector<1x16xf32>
      tpu.vector_store %arg10[%swap3A_100, %swap3A_101], %swap3A_104 {strides = array<i32>} : memref<128x64xf32, #tpu.memory_space<vmem>>, vector<1x16xf32>,
      %add3A_105 = arith.addf %scan3A_86#3, %scan3A_86#7 : vector<16xf32>
      %swap3A_106 = arith.index_cast %mul3A_29 : i32 to index
      %swap3A_107 = arith.constant 48 : index
      %swap3A_108 = tpu.vector_load %arg10[%swap3A_106, %swap3A_107] {strides = array<i32>} : memref<128x64xf32, #tpu.memory_space<vmem>>, vector<1x16xf32>,
      %swap3A_109 = vector.shape_cast %swap3A_108 : vector<1x16xf32> to vector<16xf32>
      %swap3A_110 = vector.shape_cast %add3A_105 : vector<16xf32> to vector<1x16xf32>
      tpu.vector_store %arg10[%swap3A_106, %swap3A_107], %swap3A_110 {strides = array<i32>} : memref<128x64xf32, #tpu.memory_space<vmem>>, vector<1x16xf32>,
      %add3A_111 = arith.constant 2 : i32
      %add3A_112 = arith.addi %mul3A_29, %add3A_111 : i32
      %lt3A = arith.constant 128 : i32
      %lt3A_113 = arith.cmpi slt, %add3A_112, %lt3A : i32
      %convert_element_type3A = arith.extui %lt3A_113 : i1 to i32
      %cond3A = arith.constant 0 : i32
      %cond3A_114 = arith.cmpi ne, %convert_element_type3A, %cond3A : i32
      scf.if %cond3A_114 {
        %add3A_183 = arith.constant 2 : i32
        %add3A_184 = arith.addi %mul3A_29, %add3A_183 : i32
        %dma_start3A_185 = arith.constant 0 : i32
        %dma_start3A_186 = arith.constant 0 : i32
        %dma_start3A_187 = tpu.memref_slice %arg8[%dma_start3A_185, %dma_start3A_186] : memref<200x64xf32, #tpu.memory_space<vmem>> -> memref<128x64xf32, #tpu.memory_space<vmem>>
        %dma_start3A_188 = arith.constant 0 : i32
        %dma_start3A_189 = tpu.memref_slice %arg6[%add3A_184, %dma_start3A_188] : memref<128x128xi32, #tpu.memory_space<vmem>> -> memref<1x128xi32, #tpu.memory_space<vmem>>
        %dma_start3A_190 = tpu.memref_squeeze %dma_start3A_189 : memref<1x128xi32, #tpu.memory_space<vmem>> -> memref<128xi32, #tpu.memory_space<vmem>>
        %dma_start3A_191 = arith.constant 0 : i32
        %dma_start3A_192 = arith.constant 0 : i32
        %dma_start3A_193 = tpu.memref_slice %arg4[%dma_start3A_191, %dma_start3A_192] : memref<1000000x64xf32, #tpu.memory_space<hbm>> -> memref<1000000x64xf32, #tpu.memory_space<hbm>>
        tpu.enqueue_indirect_dma source(%dma_start3A_193 : memref<1000000x64xf32, #tpu.memory_space<hbm>>) target(%dma_start3A_187 : memref<128x64xf32, #tpu.memory_space<vmem>>) offsets(%dma_start3A_190 : memref<128xi32, #tpu.memory_space<vmem>>) semaphore(%arg11 : memref<!tpu.dma_semaphore, #tpu.memory_space<semaphore_mem>>)
        %dma_start3A_194 = arith.constant 128 : i32
        %dma_start3A_195 = arith.constant 0 : i32
        %dma_start3A_196 = tpu.memref_slice %arg8[%dma_start3A_194, %dma_start3A_195] : memref<200x64xf32, #tpu.memory_space<vmem>> -> memref<72x64xf32, #tpu.memory_space<vmem>>
        %dma_start3A_197 = arith.constant 0 : i32
        %dma_start3A_198 = tpu.memref_slice %arg7[%add3A_184, %dma_start3A_197] : memref<128x72xi32, #tpu.memory_space<vmem>> -> memref<1x72xi32, #tpu.memory_space<vmem>>
        %dma_start3A_199 = tpu.memref_squeeze %dma_start3A_198 : memref<1x72xi32, #tpu.memory_space<vmem>> -> memref<72xi32, #tpu.memory_space<vmem>>
        %dma_start3A_200 = arith.constant 0 : i32
        %dma_start3A_201 = arith.constant 0 : i32
        %dma_start3A_202 = tpu.memref_slice %arg4[%dma_start3A_200, %dma_start3A_201] : memref<1000000x64xf32, #tpu.memory_space<hbm>> -> memref<1000000x64xf32, #tpu.memory_space<hbm>>
        tpu.enqueue_indirect_dma source(%dma_start3A_202 : memref<1000000x64xf32, #tpu.memory_space<hbm>>) target(%dma_start3A_196 : memref<72x64xf32, #tpu.memory_space<vmem>>) offsets(%dma_start3A_199 : memref<72xi32, #tpu.memory_space<vmem>>) semaphore(%arg11 : memref<!tpu.dma_semaphore, #tpu.memory_space<semaphore_mem>>)
      } else {
      }
      %add3A_115 = arith.constant 1 : i32
      %add3A_116 = arith.addi %mul3A_29, %add3A_115 : i32
      %dma_wait3A_117 = arith.constant 0 : i32
      %dma_wait3A_118 = arith.constant 0 : i32
      %dma_wait3A_119 = tpu.memref_slice %arg9[%dma_wait3A_117, %dma_wait3A_118] : memref<200x64xf32, #tpu.memory_space<vmem>> -> memref<128x64xf32, #tpu.memory_space<vmem>>
      %dma_wait3A_120 = arith.constant 0 : i32
      %dma_wait3A_121 = tpu.memref_slice %arg6[%add3A_116, %dma_wait3A_120] : memref<128x128xi32, #tpu.memory_space<vmem>> -> memref<1x128xi32, #tpu.memory_space<vmem>>
      %dma_wait3A_122 = tpu.memref_squeeze %dma_wait3A_121 : memref<1x128xi32, #tpu.memory_space<vmem>> -> memref<128xi32, #tpu.memory_space<vmem>>
      %dma_wait3A_123 = arith.constant 0 : i32
      %dma_wait3A_124 = arith.constant 0 : i32
      %dma_wait3A_125 = tpu.memref_slice %arg4[%dma_wait3A_123, %dma_wait3A_124] : memref<1000000x64xf32, #tpu.memory_space<hbm>> -> memref<1000000x64xf32, #tpu.memory_space<hbm>>
      tpu.wait_indirect_dma semaphore(%arg12 : memref<!tpu.dma_semaphore, #tpu.memory_space<semaphore_mem>>) src(%dma_wait3A_125 : memref<1000000x64xf32, #tpu.memory_space<hbm>>) dst(%dma_wait3A_119 : memref<128x64xf32, #tpu.memory_space<vmem>>)
      %dma_wait3A_126 = arith.constant 128 : i32
      %dma_wait3A_127 = arith.constant 0 : i32
      %dma_wait3A_128 = tpu.memref_slice %arg9[%dma_wait3A_126, %dma_wait3A_127] : memref<200x64xf32, #tpu.memory_space<vmem>> -> memref<72x64xf32, #tpu.memory_space<vmem>>
      %dma_wait3A_129 = arith.constant 0 : i32
      %dma_wait3A_130 = tpu.memref_slice %arg7[%add3A_116, %dma_wait3A_129] : memref<128x72xi32, #tpu.memory_space<vmem>> -> memref<1x72xi32, #tpu.memory_space<vmem>>
      %dma_wait3A_131 = tpu.memref_squeeze %dma_wait3A_130 : memref<1x72xi32, #tpu.memory_space<vmem>> -> memref<72xi32, #tpu.memory_space<vmem>>
      %dma_wait3A_132 = arith.constant 0 : i32
      %dma_wait3A_133 = arith.constant 0 : i32
      %dma_wait3A_134 = tpu.memref_slice %arg4[%dma_wait3A_132, %dma_wait3A_133] : memref<1000000x64xf32, #tpu.memory_space<hbm>> -> memref<1000000x64xf32, #tpu.memory_space<hbm>>
      tpu.wait_indirect_dma semaphore(%arg12 : memref<!tpu.dma_semaphore, #tpu.memory_space<semaphore_mem>>) src(%dma_wait3A_134 : memref<1000000x64xf32, #tpu.memory_space<hbm>>) dst(%dma_wait3A_128 : memref<72x64xf32, #tpu.memory_space<vmem>>)
      %add3A_135 = arith.constant 1 : i32
      %add3A_136 = arith.addi %mul3A_29, %add3A_135 : i32
      %broadcast_in_dim3A_137 = arith.constant 0.000000e+00 : f32
      %broadcast_in_dim3A_138 = vector.broadcast %broadcast_in_dim3A_137 : f32 to vector<16xf32>
      %broadcast_in_dim3A_139 = arith.constant 0.000000e+00 : f32
      %broadcast_in_dim3A_140 = vector.broadcast %broadcast_in_dim3A_139 : f32 to vector<16xf32>
      %broadcast_in_dim3A_141 = arith.constant 0.000000e+00 : f32
      %broadcast_in_dim3A_142 = vector.broadcast %broadcast_in_dim3A_141 : f32 to vector<16xf32>
      %broadcast_in_dim3A_143 = arith.constant 0.000000e+00 : f32
      %broadcast_in_dim3A_144 = vector.broadcast %broadcast_in_dim3A_143 : f32 to vector<16xf32>
      %broadcast_in_dim3A_145 = arith.constant 0.000000e+00 : f32
      %broadcast_in_dim3A_146 = vector.broadcast %broadcast_in_dim3A_145 : f32 to vector<16xf32>
      %broadcast_in_dim3A_147 = arith.constant 0.000000e+00 : f32
      %broadcast_in_dim3A_148 = vector.broadcast %broadcast_in_dim3A_147 : f32 to vector<16xf32>
      %broadcast_in_dim3A_149 = arith.constant 0.000000e+00 : f32
      %broadcast_in_dim3A_150 = vector.broadcast %broadcast_in_dim3A_149 : f32 to vector<16xf32>
      %broadcast_in_dim3A_151 = arith.constant 0.000000e+00 : f32
      %broadcast_in_dim3A_152 = vector.broadcast %broadcast_in_dim3A_151 : f32 to vector<16xf32>
      %scan3A_153 = arith.constant 0 : i32
      %scan3A_154 = arith.constant 100 : i32
      %scan3A_155 = arith.addi %scan3A_153, %scan3A_154 : i32
      %scan3A_156 = arith.constant 4 : i32
      %scan3A_157:8 = scf.for %scan3A_183 = %scan3A_153 to %scan3A_155 step %scan3A_156 iter_args(%scan3A_184 = %broadcast_in_dim3A_138, %scan3A_185 = %broadcast_in_dim3A_140, %scan3A_186 = %broadcast_in_dim3A_142, %scan3A_187 = %broadcast_in_dim3A_144, %scan3A_188 = %broadcast_in_dim3A_146, %scan3A_189 = %broadcast_in_dim3A_148, %scan3A_190 = %broadcast_in_dim3A_150, %scan3A_191 = %broadcast_in_dim3A_152) -> (vector<16xf32>, vector<16xf32>, vector<16xf32>, vector<16xf32>, vector<16xf32>, vector<16xf32>, vector<16xf32>, vector<16xf32>)  : i32 {
        %mul3A_192 = arith.constant 2 : i32
        %mul3A_193 = arith.muli %mul3A_192, %scan3A_183 : i32
        %add3A_194 = arith.constant 0 : i32
        %add3A_195 = arith.addi %mul3A_193, %add3A_194 : i32
        %get3A = arith.index_cast %add3A_195 : i32 to index
        %get3A_196 = arith.constant 0 : index
        %get3A_197 = tpu.vector_load %arg9[%get3A, %get3A_196] {strides = array<i32>} : memref<200x64xf32, #tpu.memory_space<vmem>>, vector<1x16xf32>,
        %get3A_198 = vector.shape_cast %get3A_197 : vector<1x16xf32> to vector<16xf32>
        %add3A_199 = arith.addf %scan3A_184, %get3A_198 : vector<16xf32>
        %get3A_200 = arith.index_cast %add3A_195 : i32 to index
        %get3A_201 = arith.constant 16 : index
        %get3A_202 = tpu.vector_load %arg9[%get3A_200, %get3A_201] {strides = array<i32>} : memref<200x64xf32, #tpu.memory_space<vmem>>, vector<1x16xf32>,
        %get3A_203 = vector.shape_cast %get3A_202 : vector<1x16xf32> to vector<16xf32>
        %add3A_204 = arith.addf %scan3A_185, %get3A_203 : vector<16xf32>
        %get3A_205 = arith.index_cast %add3A_195 : i32 to index
        %get3A_206 = arith.constant 32 : index
        %get3A_207 = tpu.vector_load %arg9[%get3A_205, %get3A_206] {strides = array<i32>} : memref<200x64xf32, #tpu.memory_space<vmem>>, vector<1x16xf32>,
        %get3A_208 = vector.shape_cast %get3A_207 : vector<1x16xf32> to vector<16xf32>
        %add3A_209 = arith.addf %scan3A_186, %get3A_208 : vector<16xf32>
        %get3A_210 = arith.index_cast %add3A_195 : i32 to index
        %get3A_211 = arith.constant 48 : index
        %get3A_212 = tpu.vector_load %arg9[%get3A_210, %get3A_211] {strides = array<i32>} : memref<200x64xf32, #tpu.memory_space<vmem>>, vector<1x16xf32>,
        %get3A_213 = vector.shape_cast %get3A_212 : vector<1x16xf32> to vector<16xf32>
        %add3A_214 = arith.addf %scan3A_187, %get3A_213 : vector<16xf32>
        %mul3A_215 = arith.constant 2 : i32
        %mul3A_216 = arith.muli %mul3A_215, %scan3A_183 : i32
        %add3A_217 = arith.constant 1 : i32
        %add3A_218 = arith.addi %mul3A_216, %add3A_217 : i32
        %get3A_219 = arith.index_cast %add3A_218 : i32 to index
        %get3A_220 = arith.constant 0 : index
        %get3A_221 = tpu.vector_load %arg9[%get3A_219, %get3A_220] {strides = array<i32>} : memref<200x64xf32, #tpu.memory_space<vmem>>, vector<1x16xf32>,
        %get3A_222 = vector.shape_cast %get3A_221 : vector<1x16xf32> to vector<16xf32>
        %add3A_223 = arith.addf %scan3A_188, %get3A_222 : vector<16xf32>
        %get3A_224 = arith.index_cast %add3A_218 : i32 to index
        %get3A_225 = arith.constant 16 : index
        %get3A_226 = tpu.vector_load %arg9[%get3A_224, %get3A_225] {strides = array<i32>} : memref<200x64xf32, #tpu.memory_space<vmem>>, vector<1x16xf32>,
        %get3A_227 = vector.shape_cast %get3A_226 : vector<1x16xf32> to vector<16xf32>
        %add3A_228 = arith.addf %scan3A_189, %get3A_227 : vector<16xf32>
        %get3A_229 = arith.index_cast %add3A_218 : i32 to index
        %get3A_230 = arith.constant 32 : index
        %get3A_231 = tpu.vector_load %arg9[%get3A_229, %get3A_230] {strides = array<i32>} : memref<200x64xf32, #tpu.memory_space<vmem>>, vector<1x16xf32>,
        %get3A_232 = vector.shape_cast %get3A_231 : vector<1x16xf32> to vector<16xf32>
        %add3A_233 = arith.addf %scan3A_190, %get3A_232 : vector<16xf32>
        %get3A_234 = arith.index_cast %add3A_218 : i32 to index
        %get3A_235 = arith.constant 48 : index
        %get3A_236 = tpu.vector_load %arg9[%get3A_234, %get3A_235] {strides = array<i32>} : memref<200x64xf32, #tpu.memory_space<vmem>>, vector<1x16xf32>,
        %get3A_237 = vector.shape_cast %get3A_236 : vector<1x16xf32> to vector<16xf32>
        %add3A_238 = arith.addf %scan3A_191, %get3A_237 : vector<16xf32>
        %scan3A_239 = arith.constant 1 : i32
        %scan3A_240 = arith.addi %scan3A_183, %scan3A_239 : i32
        %mul3A_241 = arith.constant 2 : i32
        %mul3A_242 = arith.muli %mul3A_241, %scan3A_240 : i32
        %add3A_243 = arith.constant 0 : i32
        %add3A_244 = arith.addi %mul3A_242, %add3A_243 : i32
        %get3A_245 = arith.index_cast %add3A_244 : i32 to index
        %get3A_246 = arith.constant 0 : index
        %get3A_247 = tpu.vector_load %arg9[%get3A_245, %get3A_246] {strides = array<i32>} : memref<200x64xf32, #tpu.memory_space<vmem>>, vector<1x16xf32>,
        %get3A_248 = vector.shape_cast %get3A_247 : vector<1x16xf32> to vector<16xf32>
        %add3A_249 = arith.addf %add3A_199, %get3A_248 : vector<16xf32>
        %get3A_250 = arith.index_cast %add3A_244 : i32 to index
        %get3A_251 = arith.constant 16 : index
        %get3A_252 = tpu.vector_load %arg9[%get3A_250, %get3A_251] {strides = array<i32>} : memref<200x64xf32, #tpu.memory_space<vmem>>, vector<1x16xf32>,
        %get3A_253 = vector.shape_cast %get3A_252 : vector<1x16xf32> to vector<16xf32>
        %add3A_254 = arith.addf %add3A_204, %get3A_253 : vector<16xf32>
        %get3A_255 = arith.index_cast %add3A_244 : i32 to index
        %get3A_256 = arith.constant 32 : index
        %get3A_257 = tpu.vector_load %arg9[%get3A_255, %get3A_256] {strides = array<i32>} : memref<200x64xf32, #tpu.memory_space<vmem>>, vector<1x16xf32>,
        %get3A_258 = vector.shape_cast %get3A_257 : vector<1x16xf32> to vector<16xf32>
        %add3A_259 = arith.addf %add3A_209, %get3A_258 : vector<16xf32>
        %get3A_260 = arith.index_cast %add3A_244 : i32 to index
        %get3A_261 = arith.constant 48 : index
        %get3A_262 = tpu.vector_load %arg9[%get3A_260, %get3A_261] {strides = array<i32>} : memref<200x64xf32, #tpu.memory_space<vmem>>, vector<1x16xf32>,
        %get3A_263 = vector.shape_cast %get3A_262 : vector<1x16xf32> to vector<16xf32>
        %add3A_264 = arith.addf %add3A_214, %get3A_263 : vector<16xf32>
        %mul3A_265 = arith.constant 2 : i32
        %mul3A_266 = arith.muli %mul3A_265, %scan3A_240 : i32
        %add3A_267 = arith.constant 1 : i32
        %add3A_268 = arith.addi %mul3A_266, %add3A_267 : i32
        %get3A_269 = arith.index_cast %add3A_268 : i32 to index
        %get3A_270 = arith.constant 0 : index
        %get3A_271 = tpu.vector_load %arg9[%get3A_269, %get3A_270] {strides = array<i32>} : memref<200x64xf32, #tpu.memory_space<vmem>>, vector<1x16xf32>,
        %get3A_272 = vector.shape_cast %get3A_271 : vector<1x16xf32> to vector<16xf32>
        %add3A_273 = arith.addf %add3A_223, %get3A_272 : vector<16xf32>
        %get3A_274 = arith.index_cast %add3A_268 : i32 to index
        %get3A_275 = arith.constant 16 : index
        %get3A_276 = tpu.vector_load %arg9[%get3A_274, %get3A_275] {strides = array<i32>} : memref<200x64xf32, #tpu.memory_space<vmem>>, vector<1x16xf32>,
        %get3A_277 = vector.shape_cast %get3A_276 : vector<1x16xf32> to vector<16xf32>
        %add3A_278 = arith.addf %add3A_228, %get3A_277 : vector<16xf32>
        %get3A_279 = arith.index_cast %add3A_268 : i32 to index
        %get3A_280 = arith.constant 32 : index
        %get3A_281 = tpu.vector_load %arg9[%get3A_279, %get3A_280] {strides = array<i32>} : memref<200x64xf32, #tpu.memory_space<vmem>>, vector<1x16xf32>,
        %get3A_282 = vector.shape_cast %get3A_281 : vector<1x16xf32> to vector<16xf32>
        %add3A_283 = arith.addf %add3A_233, %get3A_282 : vector<16xf32>
        %get3A_284 = arith.index_cast %add3A_268 : i32 to index
        %get3A_285 = arith.constant 48 : index
        %get3A_286 = tpu.vector_load %arg9[%get3A_284, %get3A_285] {strides = array<i32>} : memref<200x64xf32, #tpu.memory_space<vmem>>, vector<1x16xf32>,
        %get3A_287 = vector.shape_cast %get3A_286 : vector<1x16xf32> to vector<16xf32>
        %add3A_288 = arith.addf %add3A_238, %get3A_287 : vector<16xf32>
        %scan3A_289 = arith.constant 2 : i32
        %scan3A_290 = arith.addi %scan3A_183, %scan3A_289 : i32
        %mul3A_291 = arith.constant 2 : i32
        %mul3A_292 = arith.muli %mul3A_291, %scan3A_290 : i32
        %add3A_293 = arith.constant 0 : i32
        %add3A_294 = arith.addi %mul3A_292, %add3A_293 : i32
        %get3A_295 = arith.index_cast %add3A_294 : i32 to index
        %get3A_296 = arith.constant 0 : index
        %get3A_297 = tpu.vector_load %arg9[%get3A_295, %get3A_296] {strides = array<i32>} : memref<200x64xf32, #tpu.memory_space<vmem>>, vector<1x16xf32>,
        %get3A_298 = vector.shape_cast %get3A_297 : vector<1x16xf32> to vector<16xf32>
        %add3A_299 = arith.addf %add3A_249, %get3A_298 : vector<16xf32>
        %get3A_300 = arith.index_cast %add3A_294 : i32 to index
        %get3A_301 = arith.constant 16 : index
        %get3A_302 = tpu.vector_load %arg9[%get3A_300, %get3A_301] {strides = array<i32>} : memref<200x64xf32, #tpu.memory_space<vmem>>, vector<1x16xf32>,
        %get3A_303 = vector.shape_cast %get3A_302 : vector<1x16xf32> to vector<16xf32>
        %add3A_304 = arith.addf %add3A_254, %get3A_303 : vector<16xf32>
        %get3A_305 = arith.index_cast %add3A_294 : i32 to index
        %get3A_306 = arith.constant 32 : index
        %get3A_307 = tpu.vector_load %arg9[%get3A_305, %get3A_306] {strides = array<i32>} : memref<200x64xf32, #tpu.memory_space<vmem>>, vector<1x16xf32>,
        %get3A_308 = vector.shape_cast %get3A_307 : vector<1x16xf32> to vector<16xf32>
        %add3A_309 = arith.addf %add3A_259, %get3A_308 : vector<16xf32>
        %get3A_310 = arith.index_cast %add3A_294 : i32 to index
        %get3A_311 = arith.constant 48 : index
        %get3A_312 = tpu.vector_load %arg9[%get3A_310, %get3A_311] {strides = array<i32>} : memref<200x64xf32, #tpu.memory_space<vmem>>, vector<1x16xf32>,
        %get3A_313 = vector.shape_cast %get3A_312 : vector<1x16xf32> to vector<16xf32>
        %add3A_314 = arith.addf %add3A_264, %get3A_313 : vector<16xf32>
        %mul3A_315 = arith.constant 2 : i32
        %mul3A_316 = arith.muli %mul3A_315, %scan3A_290 : i32
        %add3A_317 = arith.constant 1 : i32
        %add3A_318 = arith.addi %mul3A_316, %add3A_317 : i32
        %get3A_319 = arith.index_cast %add3A_318 : i32 to index
        %get3A_320 = arith.constant 0 : index
        %get3A_321 = tpu.vector_load %arg9[%get3A_319, %get3A_320] {strides = array<i32>} : memref<200x64xf32, #tpu.memory_space<vmem>>, vector<1x16xf32>,
        %get3A_322 = vector.shape_cast %get3A_321 : vector<1x16xf32> to vector<16xf32>
        %add3A_323 = arith.addf %add3A_273, %get3A_322 : vector<16xf32>
        %get3A_324 = arith.index_cast %add3A_318 : i32 to index
        %get3A_325 = arith.constant 16 : index
        %get3A_326 = tpu.vector_load %arg9[%get3A_324, %get3A_325] {strides = array<i32>} : memref<200x64xf32, #tpu.memory_space<vmem>>, vector<1x16xf32>,
        %get3A_327 = vector.shape_cast %get3A_326 : vector<1x16xf32> to vector<16xf32>
        %add3A_328 = arith.addf %add3A_278, %get3A_327 : vector<16xf32>
        %get3A_329 = arith.index_cast %add3A_318 : i32 to index
        %get3A_330 = arith.constant 32 : index
        %get3A_331 = tpu.vector_load %arg9[%get3A_329, %get3A_330] {strides = array<i32>} : memref<200x64xf32, #tpu.memory_space<vmem>>, vector<1x16xf32>,
        %get3A_332 = vector.shape_cast %get3A_331 : vector<1x16xf32> to vector<16xf32>
        %add3A_333 = arith.addf %add3A_283, %get3A_332 : vector<16xf32>
        %get3A_334 = arith.index_cast %add3A_318 : i32 to index
        %get3A_335 = arith.constant 48 : index
        %get3A_336 = tpu.vector_load %arg9[%get3A_334, %get3A_335] {strides = array<i32>} : memref<200x64xf32, #tpu.memory_space<vmem>>, vector<1x16xf32>,
        %get3A_337 = vector.shape_cast %get3A_336 : vector<1x16xf32> to vector<16xf32>
        %add3A_338 = arith.addf %add3A_288, %get3A_337 : vector<16xf32>
        %scan3A_339 = arith.constant 3 : i32
        %scan3A_340 = arith.addi %scan3A_183, %scan3A_339 : i32
        %mul3A_341 = arith.constant 2 : i32
        %mul3A_342 = arith.muli %mul3A_341, %scan3A_340 : i32
        %add3A_343 = arith.constant 0 : i32
        %add3A_344 = arith.addi %mul3A_342, %add3A_343 : i32
        %get3A_345 = arith.index_cast %add3A_344 : i32 to index
        %get3A_346 = arith.constant 0 : index
        %get3A_347 = tpu.vector_load %arg9[%get3A_345, %get3A_346] {strides = array<i32>} : memref<200x64xf32, #tpu.memory_space<vmem>>, vector<1x16xf32>,
        %get3A_348 = vector.shape_cast %get3A_347 : vector<1x16xf32> to vector<16xf32>
        %add3A_349 = arith.addf %add3A_299, %get3A_348 : vector<16xf32>
        %get3A_350 = arith.index_cast %add3A_344 : i32 to index
        %get3A_351 = arith.constant 16 : index
        %get3A_352 = tpu.vector_load %arg9[%get3A_350, %get3A_351] {strides = array<i32>} : memref<200x64xf32, #tpu.memory_space<vmem>>, vector<1x16xf32>,
        %get3A_353 = vector.shape_cast %get3A_352 : vector<1x16xf32> to vector<16xf32>
        %add3A_354 = arith.addf %add3A_304, %get3A_353 : vector<16xf32>
        %get3A_355 = arith.index_cast %add3A_344 : i32 to index
        %get3A_356 = arith.constant 32 : index
        %get3A_357 = tpu.vector_load %arg9[%get3A_355, %get3A_356] {strides = array<i32>} : memref<200x64xf32, #tpu.memory_space<vmem>>, vector<1x16xf32>,
        %get3A_358 = vector.shape_cast %get3A_357 : vector<1x16xf32> to vector<16xf32>
        %add3A_359 = arith.addf %add3A_309, %get3A_358 : vector<16xf32>
        %get3A_360 = arith.index_cast %add3A_344 : i32 to index
        %get3A_361 = arith.constant 48 : index
        %get3A_362 = tpu.vector_load %arg9[%get3A_360, %get3A_361] {strides = array<i32>} : memref<200x64xf32, #tpu.memory_space<vmem>>, vector<1x16xf32>,
        %get3A_363 = vector.shape_cast %get3A_362 : vector<1x16xf32> to vector<16xf32>
        %add3A_364 = arith.addf %add3A_314, %get3A_363 : vector<16xf32>
        %mul3A_365 = arith.constant 2 : i32
        %mul3A_366 = arith.muli %mul3A_365, %scan3A_340 : i32
        %add3A_367 = arith.constant 1 : i32
        %add3A_368 = arith.addi %mul3A_366, %add3A_367 : i32
        %get3A_369 = arith.index_cast %add3A_368 : i32 to index
        %get3A_370 = arith.constant 0 : index
        %get3A_371 = tpu.vector_load %arg9[%get3A_369, %get3A_370] {strides = array<i32>} : memref<200x64xf32, #tpu.memory_space<vmem>>, vector<1x16xf32>,
        %get3A_372 = vector.shape_cast %get3A_371 : vector<1x16xf32> to vector<16xf32>
        %add3A_373 = arith.addf %add3A_323, %get3A_372 : vector<16xf32>
        %get3A_374 = arith.index_cast %add3A_368 : i32 to index
        %get3A_375 = arith.constant 16 : index
        %get3A_376 = tpu.vector_load %arg9[%get3A_374, %get3A_375] {strides = array<i32>} : memref<200x64xf32, #tpu.memory_space<vmem>>, vector<1x16xf32>,
        %get3A_377 = vector.shape_cast %get3A_376 : vector<1x16xf32> to vector<16xf32>
        %add3A_378 = arith.addf %add3A_328, %get3A_377 : vector<16xf32>
        %get3A_379 = arith.index_cast %add3A_368 : i32 to index
        %get3A_380 = arith.constant 32 : index
        %get3A_381 = tpu.vector_load %arg9[%get3A_379, %get3A_380] {strides = array<i32>} : memref<200x64xf32, #tpu.memory_space<vmem>>, vector<1x16xf32>,
        %get3A_382 = vector.shape_cast %get3A_381 : vector<1x16xf32> to vector<16xf32>
        %add3A_383 = arith.addf %add3A_333, %get3A_382 : vector<16xf32>
        %get3A_384 = arith.index_cast %add3A_368 : i32 to index
        %get3A_385 = arith.constant 48 : index
        %get3A_386 = tpu.vector_load %arg9[%get3A_384, %get3A_385] {strides = array<i32>} : memref<200x64xf32, #tpu.memory_space<vmem>>, vector<1x16xf32>,
        %get3A_387 = vector.shape_cast %get3A_386 : vector<1x16xf32> to vector<16xf32>
        %add3A_388 = arith.addf %add3A_338, %get3A_387 : vector<16xf32>
        scf.yield %add3A_349, %add3A_354, %add3A_359, %add3A_364, %add3A_373, %add3A_378, %add3A_383, %add3A_388 : vector<16xf32>, vector<16xf32>, vector<16xf32>, vector<16xf32>, vector<16xf32>, vector<16xf32>, vector<16xf32>, vector<16xf32>
      }
      %scan3A_158 = arith.constant 100 : i32
      %add3A_159 = arith.addf %scan3A_157#0, %scan3A_157#4 : vector<16xf32>
      %swap3A_160 = arith.index_cast %add3A_136 : i32 to index
      %swap3A_161 = arith.constant 0 : index
      %swap3A_162 = tpu.vector_load %arg10[%swap3A_160, %swap3A_161] {strides = array<i32>} : memref<128x64xf32, #tpu.memory_space<vmem>>, vector<1x16xf32>,
      %swap3A_163 = vector.shape_cast %swap3A_162 : vector<1x16xf32> to vector<16xf32>
      %swap3A_164 = vector.shape_cast %add3A_159 : vector<16xf32> to vector<1x16xf32>
      tpu.vector_store %arg10[%swap3A_160, %swap3A_161], %swap3A_164 {strides = array<i32>} : memref<128x64xf32, #tpu.memory_space<vmem>>, vector<1x16xf32>,
      %add3A_165 = arith.addf %scan3A_157#1, %scan3A_157#5 : vector<16xf32>
      %swap3A_166 = arith.index_cast %add3A_136 : i32 to index
      %swap3A_167 = arith.constant 16 : index
      %swap3A_168 = tpu.vector_load %arg10[%swap3A_166, %swap3A_167] {strides = array<i32>} : memref<128x64xf32, #tpu.memory_space<vmem>>, vector<1x16xf32>,
      %swap3A_169 = vector.shape_cast %swap3A_168 : vector<1x16xf32> to vector<16xf32>
      %swap3A_170 = vector.shape_cast %add3A_165 : vector<16xf32> to vector<1x16xf32>
      tpu.vector_store %arg10[%swap3A_166, %swap3A_167], %swap3A_170 {strides = array<i32>} : memref<128x64xf32, #tpu.memory_space<vmem>>, vector<1x16xf32>,
      %add3A_171 = arith.addf %scan3A_157#2, %scan3A_157#6 : vector<16xf32>
      %swap3A_172 = arith.index_cast %add3A_136 : i32 to index
      %swap3A_173 = arith.constant 32 : index
      %swap3A_174 = tpu.vector_load %arg10[%swap3A_172, %swap3A_173] {strides = array<i32>} : memref<128x64xf32, #tpu.memory_space<vmem>>, vector<1x16xf32>,
      %swap3A_175 = vector.shape_cast %swap3A_174 : vector<1x16xf32> to vector<16xf32>
      %swap3A_176 = vector.shape_cast %add3A_171 : vector<16xf32> to vector<1x16xf32>
      tpu.vector_store %arg10[%swap3A_172, %swap3A_173], %swap3A_176 {strides = array<i32>} : memref<128x64xf32, #tpu.memory_space<vmem>>, vector<1x16xf32>,
      %add3A_177 = arith.addf %scan3A_157#3, %scan3A_157#7 : vector<16xf32>
      %swap3A_178 = arith.index_cast %add3A_136 : i32 to index
      %swap3A_179 = arith.constant 48 : index
      %swap3A_180 = tpu.vector_load %arg10[%swap3A_178, %swap3A_179] {strides = array<i32>} : memref<128x64xf32, #tpu.memory_space<vmem>>, vector<1x16xf32>,
      %swap3A_181 = vector.shape_cast %swap3A_180 : vector<1x16xf32> to vector<16xf32>
      %swap3A_182 = vector.shape_cast %add3A_177 : vector<16xf32> to vector<1x16xf32>
      tpu.vector_store %arg10[%swap3A_178, %swap3A_179], %swap3A_182 {strides = array<i32>} : memref<128x64xf32, #tpu.memory_space<vmem>>, vector<1x16xf32>,
    }
    %scan3A_26 = arith.constant 64 : i32
    "tpu.region"() ({
      %run_scoped3A = tpu.sem_alloc : memref<!tpu.dma_semaphore, #tpu.memory_space<semaphore_mem>>
      %dma_start3A_27 = arith.constant 0 : i32
      %dma_start3A_28 = tpu.memref_slice %arg5[%mul3A_2, %dma_start3A_27] : memref<4096x64xf32, #tpu.memory_space<hbm>> -> memref<128x64xf32, #tpu.memory_space<hbm>>
      %dma_start3A_29 = arith.constant 0 : i32
      %dma_start3A_30 = tpu.memref_slice %arg5[%mul3A_2, %dma_start3A_29] : memref<4096x64xf32, #tpu.memory_space<hbm>> -> memref<128x64xf32, #tpu.memory_space<hbm>>
      tpu.enqueue_dma source(%arg10 : memref<128x64xf32, #tpu.memory_space<vmem>>) target(%dma_start3A_30 : memref<128x64xf32, #tpu.memory_space<hbm>>) target_semaphore(%run_scoped3A : memref<!tpu.dma_semaphore, #tpu.memory_space<semaphore_mem>>)
      %dma_wait3A = arith.constant 0 : i32
      %dma_wait3A_31 = tpu.memref_slice %arg5[%mul3A_2, %dma_wait3A] : memref<4096x64xf32, #tpu.memory_space<hbm>> -> memref<128x64xf32, #tpu.memory_space<hbm>>
      %dma_wait3A_32 = arith.constant 0 : i32
      %dma_wait3A_33 = tpu.memref_slice %arg5[%mul3A_2, %dma_wait3A_32] : memref<4096x64xf32, #tpu.memory_space<hbm>> -> memref<128x64xf32, #tpu.memory_space<hbm>>
      tpu.wait_dma2 semaphore(%run_scoped3A : memref<!tpu.dma_semaphore, #tpu.memory_space<semaphore_mem>>) src(%arg10 : memref<128x64xf32, #tpu.memory_space<vmem>>) dst(%dma_wait3A_33 : memref<128x64xf32, #tpu.memory_space<hbm>>)
      tpu.yield
    }) : () -> ()
    return
  }
}

module attributes {stable_mosaic.version = 14 : i64} {
  func.func @body(%arg0: i32, %arg1: memref<512x64xf32, #tpu.memory_space<vmem>>, %arg2: memref<512x200xi32, #tpu.memory_space<vmem>>, %arg3: memref<1x64xf32, #tpu.memory_space<vmem>>, %arg4: memref<512x1xf32, #tpu.memory_space<vmem>>, %arg5: memref<64x128xf32, #tpu.memory_space<vmem>>, %arg6: memref<1x128xf32, #tpu.memory_space<vmem>>, %arg7: memref<512x128xf32, #tpu.memory_space<vmem>>) attributes {dimension_semantics = [#tpu.dimension_semantics<arbitrary>], iteration_bounds = array<i64: 8>, scalar_prefetch = 0 : i64, scratch_operands = 0 : i64, tpu.core_type = #tpu.core_type<tc>, window_params = [{transform_indices = @transform_0, window_bounds = array<i64: 512, 64>}, {transform_indices = @transform_1, window_bounds = array<i64: 512, 200>}, {pipeline_mode = #tpu.pipeline_mode<synchronous>, transform_indices = @transform_2, window_bounds = array<i64: 1, 64>}, {transform_indices = @transform_3, window_bounds = array<i64: 512, 1>}, {pipeline_mode = #tpu.pipeline_mode<synchronous>, transform_indices = @transform_4, window_bounds = array<i64: 64, 128>}, {pipeline_mode = #tpu.pipeline_mode<synchronous>, transform_indices = @transform_5, window_bounds = array<i64: 1, 128>}, {transform_indices = @transform_6, window_bounds = array<i64: 512, 128>}]} {
    %get3A = arith.constant 0 : index
    %get3A_0 = arith.constant 0 : index
    %get3A_1 = vector.load %arg2[%get3A, %get3A_0] : memref<512x200xi32, #tpu.memory_space<vmem>>, vector<512x200xi32>
    %eq3A = arith.constant 0 : i32
    %eq3A_2 = vector.broadcast %eq3A : i32 to vector<512x200xi32>
    %eq3A_3 = arith.cmpi eq, %get3A_1, %eq3A_2 : vector<512x200xi32>
    %jit3A = arith.constant 1.000000e+00 : f32
    %jit3A_4 = arith.constant 0.000000e+00 : f32
    %broadcast_in_dim3A = vector.broadcast %jit3A : f32 to vector<512x200xf32>
    %broadcast_in_dim3A_5 = vector.broadcast %jit3A_4 : f32 to vector<512x200xf32>
    %select_n3A = arith.select %eq3A_3, %broadcast_in_dim3A, %broadcast_in_dim3A_5 : vector<512x200xi1>, vector<512x200xf32>
    %reduce_sum3A = arith.constant dense<0.000000e+00> : vector<512xf32>
    %reduce_sum3A_6 = vector.multi_reduction <add>, %select_n3A, %reduce_sum3A [1] : vector<512x200xf32> to vector<512xf32>
    %broadcast_in_dim3A_7 = vector.shape_cast %reduce_sum3A_6 : vector<512xf32> to vector<512x1xf32>
    %get3A_8 = arith.constant 0 : index
    %get3A_9 = arith.constant 0 : index
    %get3A_10 = vector.load %arg1[%get3A_8, %get3A_9] : memref<512x64xf32, #tpu.memory_space<vmem>>, vector<512x64xf32>
    %get3A_11 = arith.constant 0 : index
    %get3A_12 = arith.constant 0 : index
    %get3A_13 = vector.load %arg3[%get3A_11, %get3A_12] : memref<1x64xf32, #tpu.memory_space<vmem>>, vector<1x64xf32>
    %mul3A = vector.broadcast %broadcast_in_dim3A_7 : vector<512x1xf32> to vector<512x64xf32>
    %mul3A_14 = vector.broadcast %get3A_13 : vector<1x64xf32> to vector<512x64xf32>
    %mul3A_15 = arith.mulf %mul3A, %mul3A_14 : vector<512x64xf32>
    %sub3A = arith.subf %get3A_10, %mul3A_15 : vector<512x64xf32>
    %get3A_16 = arith.constant 0 : index
    %get3A_17 = arith.constant 0 : index
    %get3A_18 = vector.load %arg4[%get3A_16, %get3A_17] : memref<512x1xf32, #tpu.memory_space<vmem>>, vector<512x1xf32>
    %div3A = vector.broadcast %get3A_18 : vector<512x1xf32> to vector<512x64xf32>
    %div3A_19 = arith.divf %sub3A, %div3A : vector<512x64xf32>
    %get3A_20 = arith.constant 0 : index
    %get3A_21 = arith.constant 0 : index
    %get3A_22 = vector.load %arg5[%get3A_20, %get3A_21] : memref<64x128xf32, #tpu.memory_space<vmem>>, vector<64x128xf32>
    %dot_general3A = arith.constant dense<0.000000e+00> : vector<512x128xf32>
    %dot_general3A_23 = tpu.matmul %div3A_19, %get3A_22, %dot_general3A {dimension_numbers = #tpu.dot_dimension_numbers<[1], [0], [0], [1], [0, 0, 1, 1], [], []>, transpose_lhs_hint = false} : vector<512x64xf32>, vector<64x128xf32>, vector<512x128xf32> -> vector<512x128xf32>
    %get3A_24 = arith.constant 0 : index
    %get3A_25 = arith.constant 0 : index
    %get3A_26 = vector.load %arg6[%get3A_24, %get3A_25] : memref<1x128xf32, #tpu.memory_space<vmem>>, vector<1x128xf32>
    %add3A = vector.broadcast %get3A_26 : vector<1x128xf32> to vector<512x128xf32>
    %add3A_27 = arith.addf %dot_general3A_23, %add3A : vector<512x128xf32>
    %reduce_max3A = arith.constant dense<0xFF800000> : vector<512xf32>
    %reduce_max3A_28 = vector.multi_reduction <maximumf>, %add3A_27, %reduce_max3A [1] : vector<512x128xf32> to vector<512xf32>
    %broadcast_in_dim3A_29 = vector.shape_cast %reduce_max3A_28 : vector<512xf32> to vector<512x1xf32>
    %sub3A_30 = vector.broadcast %broadcast_in_dim3A_29 : vector<512x1xf32> to vector<512x128xf32>
    %sub3A_31 = arith.subf %add3A_27, %sub3A_30 : vector<512x128xf32>
    %exp3A = math.exp %sub3A_31 : vector<512x128xf32>
    %reduce_sum3A_32 = arith.constant dense<0.000000e+00> : vector<512xf32>
    %reduce_sum3A_33 = vector.multi_reduction <add>, %exp3A, %reduce_sum3A_32 [1] : vector<512x128xf32> to vector<512xf32>
    %broadcast_in_dim3A_34 = vector.shape_cast %reduce_sum3A_33 : vector<512xf32> to vector<512x1xf32>
    %log3A = math.log %broadcast_in_dim3A_34 : vector<512x1xf32>
    %sub3A_35 = vector.broadcast %log3A : vector<512x1xf32> to vector<512x128xf32>
    %sub3A_36 = arith.subf %sub3A_31, %sub3A_35 : vector<512x128xf32>
    %swap3A = arith.constant 0 : index
    %swap3A_37 = arith.constant 0 : index
    %swap3A_38 = vector.load %arg7[%swap3A, %swap3A_37] : memref<512x128xf32, #tpu.memory_space<vmem>>, vector<512x128xf32>
    tpu.vector_store %arg7[%swap3A, %swap3A_37], %sub3A_36 {strides = array<i32>} : memref<512x128xf32, #tpu.memory_space<vmem>>, vector<512x128xf32>,
    return
  }
  func.func @transform_0(%arg0: i32) -> (i32, i32) {
    %c0_i32 = arith.constant 0 : i32
    %c0_i32_0 = arith.constant 0 : i32
    return %arg0, %c0_i32 : i32, i32
  }
  func.func @transform_1(%arg0: i32) -> (i32, i32) {
    %c0_i32 = arith.constant 0 : i32
    %c0_i32_0 = arith.constant 0 : i32
    return %arg0, %c0_i32 : i32, i32
  }
  func.func @transform_2(%arg0: i32) -> (i32, i32) {
    %c0_i32 = arith.constant 0 : i32
    %c0_i32_0 = arith.constant 0 : i32
    %c0_i32_1 = arith.constant 0 : i32
    return %c0_i32, %c0_i32_0 : i32, i32
  }
  func.func @transform_3(%arg0: i32) -> (i32, i32) {
    %c0_i32 = arith.constant 0 : i32
    %c0_i32_0 = arith.constant 0 : i32
    return %arg0, %c0_i32 : i32, i32
  }
  func.func @transform_4(%arg0: i32) -> (i32, i32) {
    %c0_i32 = arith.constant 0 : i32
    %c0_i32_0 = arith.constant 0 : i32
    %c0_i32_1 = arith.constant 0 : i32
    return %c0_i32, %c0_i32_0 : i32, i32
  }
  func.func @transform_5(%arg0: i32) -> (i32, i32) {
    %c0_i32 = arith.constant 0 : i32
    %c0_i32_0 = arith.constant 0 : i32
    %c0_i32_1 = arith.constant 0 : i32
    return %c0_i32, %c0_i32_0 : i32, i32
  }
  func.func @transform_6(%arg0: i32) -> (i32, i32) {
    %c0_i32 = arith.constant 0 : i32
    %c0_i32_0 = arith.constant 0 : i32
    return %arg0, %c0_i32 : i32, i32
  }
}

</mosaic_0001>

<sc_bundles>
// kernel: kernel.4.cloned.1.call-start
scs
__scs_entry_jumppad:
0x0: {  	(pc) =	sbr.rel $0x88, $3  }
0x1: {  	(tag) =	ssettag $0x0;
	lr =	simm.s32 $0x1  }
0x2: {  	[smem:$0x3F98] =	sst lr;
	_ =	strace $0xD0000000  }
0x3: {  	_ = 	snop  }
0x4: {  	_ = 	snop  }
0x5: {  	_ = 	snop  }
0x6: {  	_ = 	snop  }
0x7: {  	_ = 	snop  }
__scs_overlays_trampoline_lowered:
0x8: {  	[smem:$0x3FA7] =	sst s0  }
0x9: {  	[smem:$0x3FA8] =	sst s1  }
0xa: {  	[smem:$0x3FA9] =	sst s2  }
0xb: {  	[smem:$0x3FAA] =	sst s3  }
0xc: {  	[smem:$0x3FAB] =	sst s4  }
0xd: {  	[smem:$0x3FAC] =	sst s5  }
0xe: {  	[smem:$0x3FAD] =	sst s6  }
0xf: {  	[smem:$0x3FAE] =	sst s7  }
0x10: {  	[smem:$0x3FAF] =	sst s8  }
0x11: {  	[smem:$0x3FB0] =	sst s9;
	s0 =	simm.s32 @!p0 $0x0  }
0x12: {  	s1 =	sld [smem:$0x3F96];
	s0 =	simm.s32 @p0 $0x1  }
0x13: {  	[smem:$0x3FB1] =	sst s0;
	s0 =	simm.s32 @!p1 $0x0  }
0x14: {  	s2 =	sld [smem:$0x3F95];
	s0 =	simm.s32 @p1 $0x1  }
0x15: {  	[smem:$0x3FB2] =	sst s0;
	s0 =	simm.s32 @!p2 $0x0  }
0x16: {  	s3 =	sld [smem:$0x3FDB];
	s0 =	simm.s32 @p2 $0x1  }
0x17: {  	s4 =	simm.s32 $0x1BF5;
	[smem:$0x3FB4] =	sst s0  }
0x18: {  	s0 =	sld [smem:$0x3F97];
	_ =	swait.ge [sflag:s4], $0x0  }
0x19: {  	s7 =	sld [smem:$0x3F98]  }
0x1a: {  	s8 =	sadd.s32 $0xFFFFE003, lr  }
0x1b: {  	s9 =	sadd.s32 $0xFFFFFEF7, lr;
	s5 =	simm.s32 $0xFFFFFFFF;
	p2 =	slt.u32 s8, $0xFFFFF086  }
0x1c: {  	p1 =	slt.u32 s9, $0xF7A;
	s5 =	simm.s32 @!p2 $0x0  }
0x1d: {  	s5 =	simm.s32 @p1 $0x1;
	p0 =	seq.s32 s7, s2  }
0x1e: {  	s7 =	smul.u32 @!p0 $0xF7A, s2;
	p2 =	seq.s32 @!p0 s5, $0x0  }
0x1f: {  	s9 =	smul.u32 $0xF7A, s1;
	s8 =	simm.s32 @!p0 $0x1BF5;
	p2 =	por !p2, p0  }
0x20: {  	[sflag:s8] =	ssyncset.s32 @!p0 $0xFFFFF086;
	s6 =	sadd.s32 @!p0 s3, s7;
	s7 =	simm.s32 @!p0 $0x108  }
0x21: {  	s3 =	sadd.s32 s3, s9;
	s6 =	sadd.s32 @!p0 $0x88, s6;
	s7 =	simm.s32 @p2 $0x1082  }
0x22: {  	[simem:s7], [sflag:s8] =	dma.local @!p0 [hbm:s6], $0xF7A  }
0x23: {  	s9 =	sor.u32 $0xD0000000, s2;
	s6 =	simm.s32 $0x108;
	_ =	swait.ge @!p0 [sflag:s8], $0x0  }
0x24: {  	s3 =	sadd.s32 $0x88, s3;
	s6 =	simm.s32 @!p1 $0x1082;
	[sflag:s4] =	ssyncset.s32 $0xFFFFF086  }
0x25: {  	[simem:s6], [sflag:s4] =	dma.local [hbm:s3], $0xF7A  }
0x26: {  	[smem:$0x3F98] =	sst s1;
	(tag) =	ssettag s2;
	_ =	strace s9  }
0x27: {  	s1 =	sld [smem:$0x3FA8]  }
0x28: {  	s2 =	sld [smem:$0x3FA9]  }
0x29: {  	s4 =	sld [smem:$0x3FAB]  }
0x2a: {  	p0 =	seq.s32 s5, $0x0;
	s5 =	sld [smem:$0x3FAC]  }
0x2b: {  	s6 =	sld [smem:$0x3FAD]  }
0x2c: {  	s7 =	sld [smem:$0x3FAE]  }
0x2d: {  	s3 =	simm.s32 $0x108;
	s8 =	sld [smem:$0x3FAF]  }
0x2e: {  	s3 =	simm.s32 @!p0 $0x1082;
	s9 =	sld [smem:$0x3FB0]  }
0x2f: {  	lr =	sadd.s32 s0, s3;
	s0 =	sld [smem:$0x3FA7]  }
0x30: {  	s3 =	sld [smem:$0x3FAA]  }
0x31: {  	[smem:$0x3FB3] =	sst s10  }
0x32: {  	s10 =	sld [smem:$0x3FB1];
	_ =	sdelay $0x3  }
0x33: {  	p0 =	seq.s32 s10, $0x1;
	s10 =	sld [smem:$0x3FB3];
	_ =	sdelay $0x3  }
0x34: {  	[smem:$0x3FB3] =	sst s10  }
0x35: {  	s10 =	sld [smem:$0x3FB2];
	_ =	sdelay $0x3  }
0x36: {  	p1 =	seq.s32 s10, $0x1;
	s10 =	sld [smem:$0x3FB3];
	_ =	sdelay $0x3  }
0x37: {  	[smem:$0x3FB3] =	sst s10  }
0x38: {  	s10 =	sld [smem:$0x3FB4]  }
0x39: {  	_ = 	snop;
	(pc) =	sbr.ind lr, $3  }
0x3a: {  	_ = 	snop  }
0x3b: {  	_ = 	snop  }
0x3c: {  	p2 =	seq.s32 s10, $0x1;
	s10 =	sld [smem:$0x3FB3]  }
0x3d: {  	_ =	shalt  }
0x3e: {  	_ =	shalt  }
0x3f: {  	_ =	shalt  }
0x40: {  	_ =	shalt  }
0x41: {  	_ =	shalt  }
0x42: {  	_ =	shalt  }
0x43: {  	_ =	shalt  }
0x44: {  	_ =	shalt  }
0x45: {  	_ =	shalt  }
0x46: {  	_ =	shalt  }
0x47: {  	_ =	shalt  }
0x48: {  	_ =	shalt  }
0x49: {  	_ =	shalt  }
0x4a: {  	_ =	shalt  }
0x4b: {  	_ =	shalt  }
0x4c: {  	_ =	shalt  }
0x4d: {  	_ =	shalt  }
0x4e: {  	_ =	shalt  }
0x4f: {  	_ =	shalt  }
0x50: {  	_ =	shalt  }
0x51: {  	_ =	shalt  }
0x52: {  	_ =	shalt  }
0x53: {  	_ =	shalt  }
0x54: {  	_ =	shalt  }
0x55: {  	_ =	shalt  }
0x56: {  	_ =	shalt  }
0x57: {  	_ =	shalt  }
0x58: {  	_ =	shalt  }
0x59: {  	_ =	shalt  }
0x5a: {  	_ =	shalt  }
0x5b: {  	_ =	shalt  }
0x5c: {  	_ =	shalt  }
0x5d: {  	_ =	shalt  }
0x5e: {  	_ =	shalt  }
0x5f: {  	_ =	shalt  }
0x60: {  	_ =	shalt  }
0x61: {  	_ =	shalt  }
0x62: {  	_ =	shalt  }
0x63: {  	_ =	shalt  }
0x64: {  	_ =	shalt  }
0x65: {  	_ =	shalt  }
0x66: {  	_ =	shalt  }
0x67: {  	_ =	shalt  }
0x68: {  	_ =	shalt  }
0x69: {  	_ =	shalt  }
0x6a: {  	_ =	shalt  }
0x6b: {  	_ =	shalt  }
0x6c: {  	_ =	shalt  }
0x6d: {  	_ =	shalt  }
0x6e: {  	_ =	shalt  }
0x6f: {  	_ =	shalt  }
0x70: {  	_ =	shalt  }
0x71: {  	_ =	shalt  }
0x72: {  	_ =	shalt  }
0x73: {  	_ =	shalt  }
0x74: {  	_ =	shalt  }
0x75: {  	_ =	shalt  }
0x76: {  	_ =	shalt  }
0x77: {  	_ =	shalt  }
0x78: {  	_ =	shalt  }
0x79: {  	_ =	shalt  }
0x7a: {  	_ =	shalt  }
0x7b: {  	_ =	shalt  }
0x7c: {  	_ =	shalt  }
0x7d: {  	_ =	shalt  }
0x7e: {  	_ =	shalt  }
0x7f: {  	_ =	shalt  }
0x80: {  	_ =	shalt  }
0x81: {  	_ =	shalt  }
0x82: {  	_ =	shalt  }
0x83: {  	_ =	shalt  }
0x84: {  	_ =	shalt  }
0x85: {  	_ =	shalt  }
0x86: {  	_ =	shalt  }
0x87: {  	_ =	shalt  }
.Lfunc_end0:
.L_simem_size_0:
called_computation_lowered:
.L_overlay_start_0:
0x88: {  	s2 =	sld [smem:$0x3FD9]  }
0x89: {  	s3 =	sld [smem:$0x3FFE];
	_ =	sdelay $0x1  }
0x8a: {  	s1 =	srdreg.scid  }
0x8b: {  	s0 =	sand.u32 $0x1, s1  }
0x8c: {  	s17 =	sshll.u32 s0, $0xA;
	s2 =	sadd.s32 s3, s2  }
0x8d: {  	s2 =	sadd.s32 s2, s17  }
0x8e: {  	[smem:$0x3FBF] =	sst s2  }
0x8f: {  	_ = 	snop  }
0x90: {  	s2 =	sld [smem:$0x3FD0];
	(tm) =	ssettm $0x1  }
0x91: {  	s18 =	sld [smem:$0x3FFB];
	_ =	sdelay $0x3  }
0x92: {  	_ =	strace s18  }
0x93: {  	s3 =	sld [smem:$0x3FFC];
	_ =	sdelay $0x3  }
0x94: {  	_ =	strace s3  }
0x95: {  	s3 =	sld [smem:$0x3FFD];
	_ =	sdelay $0x3  }
0x96: {  	_ =	strace s3  }
0x97: {  	_ =	strace $0x8FFFFFFF  }
0x98: {  	s19 =	sld [smem:$0x3FDB];
	_ =	sdelay $0x1  }
0x99: {  	s4 =	simm.s32 $_scs_section_size  }
0x9a: {  	s5 =	simm.s32 $_size__tile_overlayer_lowered;
	s6 =	simm.s32 $_tile_overlayer_lowered  }
0x9b: {  	s22 =	simm.s32 $0x1BFF;
	s21 =	sshll.u32 s6, $0x1;
	s3 =	sadd.s32 s4, s19  }
0x9c: {  	s7 =	simm.s32 $0x0;
	s20 =	sshll.u32 s5, $0x1;
	s5 =	sadd.s32 s21, s3  }
0x9d: {  	[timem:s7], [sflag:s22] =	dma.local [hbm:s5], s20  }
0x9e: {  	_ =	swait.ge [sflag:s22], s20  }
0x9f: {  	s4 =	ssub.s32 $0x0, s20;
	[sflag:s22] =	ssyncset.done $0x0  }
0xa0: {  	[sflag:s22] =	ssyncadd.s32 s4;
	_ =	sdelay $0x1  }
0xa1: {  	s23 =	simm.s32 $0x1B8B  }
0xa2: {  	_ =	swait.ge [sflag:s23], $0x1  }
0xa3: {  	[sflag:s23] =	ssyncset.done $0x0  }
0xa4: {  	s25 =	simm.s32 $0x1B8E;
	s24 =	sld [smem:$0x3FFE];
	[sflag:s23] =	ssyncadd.s32 $0xFFFFFFFF  }
0xa5: {  	s26 =	simm.s32 $execute0_lowered;
	[smem:$0x3FD2] =	sst s25  }
0xa6: {  	s5 =	sshll.u32 s26, $0x1;
	_ =	strace $0x80000046;
	[dreg:$0x1] =	wrdreg $0xFFFFFFFF  }
0xa7: {  	s28 =	simm.s32 $_size_execute0_lowered;
	s3 =	sadd.s32 s3, s5;
	[dreg:$0x0] =	wrdreg $0x0  }
0xa8: {  	s5 =	sshll.u32 s28, $0x1;
	[dreg:$0x2] =	wrdreg s3  }
0xa9: {  	[dreg:$0x3] =	wrdreg s5  }
0xaa: {  	[dreg:$0x4] =	wrdreg $0xC0  }
0xab: {  	_ =	task [dreg:s7], $0x5FFFF  }
0xac: {  	[dreg:$0x1] =	wrdreg $0xFFFFFFFF  }
0xad: {  	[dreg:$0x0] =	wrdreg $0x60  }
0xae: {  	[dreg:$0x2] =	wrdreg s2  }
0xaf: {  	[dreg:$0x3] =	wrdreg s24  }
0xb0: {  	[dreg:$0x4] =	wrdreg $0x9  }
0xb1: {  	_ =	task.clear_ibuf [dreg:s7], $0x5FFFF;
	_ =	strace $0x90000046  }
0xb2: {  	s29 =	simm.s32 $0x9;
	_ =	strace $0x80000048  }
0xb3: {  	_ =	swait.ge [sflag:s29], $0x1  }
0xb4: {  	[sflag:s29] =	ssyncadd.s32 $0xFFFFFFFF  }
0xb5: {  	_ =	strace $0x90000048  }
0xb6: {  	_ =	sfence  }
0xb7: {  	s30 =	sld [smem:$0x0];
	_ =	sdelay $0x2  }
0xb8: {  	s31 =	sshll.u32 s1, $0xD;
	s1 =	sshrl.u32 s1, $0x2  }
0xb9: {  	s3 =	sand.u32 $0x4000, s31;
	s1 =	sadd.s32 s1, s30  }
0xba: {  	s0 =	sor.u32 s3, s0;
	s1 =	sshll.u32 s1, $0x11  }
0xbb: {  	s0 =	sor.u32 s1, s0  }
0xbc: {  	s0 =	sadd.s32 $0x8F2B, s0  }
0xbd: {  	[sflag:s0] =	ssyncadd.remote.s32 $0x1  }
0xbe: {  	_ =	sfence.sel $0xFFFF  }
0xbf: {  	[dreg:$0x0] =	wrdreg $0xFFFFFFFF;
	(pc) =	sbr.abs _section_cstart, $3  }
0xc0: {  	[dreg:$0x1] =	wrdreg $0xFFFFFFFF  }
0xc1: {  	_ =	task.clear_ibuf [dreg:s7], $0x2FFFF;
	_ =	strace $0x9FFFFFFF  }
0xc2: {  	(tm) =	ssettm $0x7FFFFFFF  }
0xc3: {  	_ =	shalt  }
tec
execute0_lowered:
.L_overlay_start_1:
0x0: {  	(tag) =	ssettag $0x1  }
0x1: {  	s1 =	srdreg.scid  }
0x2: {  	s4 =	rddreg [dreg:$0x0];
	s0 =	stileid.u32  }
0x3: {  	s5 =	rddreg [dreg:$0x1];
	s2 =	simm.s32 $0x0;
	s11 =	simm.s32 $0x4000  }
0x4: {  	s12 =	simm.s32 $0x6400;
	s13 =	simm.s32 $0x8400;
	s14 =	simm.s32 $0x9600  }
0x5: {  	s15 =	simm.s32 $0xB600;
	s16 =	simm.s32 $0x1;
	s17 =	simm.s32 $0x2  }
0x6: {  	s18 =	simm.s32 $0xC800;
	s3 =	sand.u32 $0x1, s1;
	s1 =	rddreg [dreg:$0x2]  }
0x7: {  	s19 =	simm.s32 $0x0;
	s6 =	sshll.u32 s0, $0x8;
	[smem:$0x7FF] =	sst s2  }
0x8: {  	s7 =	sshll.u32 s3, $0x7;
	_ =	strace $0x80000047;
	s9 =	ssub.s32 $0x2, s3  }
0x9: {  	s3 =	sadd.s32 $0xF63E00, s5;
	s6 =	sor.u32 s7, s6;
	s10 =	sshrl.u32 s9, $0x1  }
0xa: {  	s7 =	sshll.u32 s6, $0x4;
	s6 =	sshll.u32 s6, $0x3;
	s9 =	ssub.s32 s9, s10  }
0xb: {  	s10 =	simm.s32 $0x80;
	s8 =	sadd.s32 s7, s5;
	s6 =	sadd.s32 s6, s5  }
0xc: {  	s4 =	sadd.s32 s4, s7;
	s7 =	smax.u32 s9, $0x1;
	s9 =	simm.s32 $0x48  }
0xd: {  	s5 =	sadd.s32 $0x1705000, s8;
	s6 =	sadd.s32 $0x1715000, s6;
	s8 =	simm.s32 $0x3  }
.LBB2_1:
0xe: {  	[tilespmem:s2], [sflag:$0x3] =	stream.linear.gather [hbm4b:s4+s2], $0x4000, $0x38;
	[tilespmem:$0xE800] =	vst v63  }
0xf: {  	_ =	swait.ge [sflag:s8], $0x4000  }
0x10: {  	[sflag:s8] =	ssyncset.done $0x0  }
0x11: {  	[sflag:s8] =	ssyncadd.s32 $0xFFFFC000  }
0x12: {  	[tilespmem:s11], [sflag:$0x3] =	stream.strided.gather [hbm4b:s5+s9], $0x2400, s10, s9, $0x38;
	[tilespmem:$0xE800] =	vst v63  }
0x13: {  	_ =	swait.ge [sflag:s8], $0x2400  }
0x14: {  	[sflag:s8] =	ssyncset.done $0x0  }
0x15: {  	[sflag:s8] =	ssyncadd.s32 $0xFFFFDC00  }
0x16: {  	[tilespmem:s12], [sflag:$0x1] =	stream.indirect.gather [hbm4b:s3+s10], $0x40, s2, s10, $0xb8;
	[tilespmem:$0xE800] =	vst v63  }
0x17: {  	s20 =	simm.s32 $0x0  }
0x18: {  	[tilespmem:s13], [sflag:$0x1] =	stream.indirect.gather [hbm4b:s3+s9], $0x40, s11, s9, $0xb8;
	[tilespmem:$0xE800] =	vst v63  }
.LBB2_2:
0x19: {  	s21 =	sshllo.u32 s20, $0x1  }
0x1a: {  	s22 =	sshll.u32 s21, $0x7  }
0x1b: {  	s23 =	smul.u32 $0x120, s21;
	s22 =	sand.u32 $0x3FFFFF80, s22  }
0x1c: {  	[tilespmem:s14], [sflag:$0x2] =	stream.indirect.gather [hbm4b:s3+s10], $0x40, s22, s10, $0xb8;
	[tilespmem:$0xE800] =	vst v63  }
0x1d: {  	s31 =	sshra.s32 s23, $0x2  }
0x1e: {  	s22 =	sadd.s32 $0x4000, s31  }
0x1f: {  	[tilespmem:s15], [sflag:$0x2] =	stream.indirect.gather [hbm4b:s3+s9], $0x40, s22, s9, $0xb8;
	[tilespmem:$0xE800] =	vst v63  }
0x20: {  	_ =	swait.ge [sflag:s16], $0x2000  }
0x21: {  	[sflag:s16] =	ssyncset.done $0x0  }
0x22: {  	[sflag:s16] =	ssyncadd.s32 $0xFFFFE000  }
0x23: {  	_ =	swait.ge [sflag:s16], $0x1200  }
0x24: {  	[sflag:s16] =	ssyncset.done $0x0  }
0x25: {  	s24 =	simm.s32 $0x6500;
	[sflag:s16] =	ssyncadd.s32 $0xFFFFEE00  }
0x26: {  	v4 =	vld [tilespmem:s24+$0x80]  }
0x27: {  	v5 =	vld [tilespmem:s24+$0x90]  }
0x28: {  	v11 =	vld [tilespmem:s24+$0xA0]  }
0x29: {  	v12 =	vld [tilespmem:s24+$0xB0]  }
0x2a: {  	v0 =	vld [tilespmem:s24+$0xC0]  }
0x2b: {  	v1 =	vld [tilespmem:s24+$0xD0]  }
0x2c: {  	v6 =	vld [tilespmem:s24+$0x0]  }
0x2d: {  	v7 =	vld [tilespmem:s24+$0x10]  }
0x2e: {  	v9 =	vld [tilespmem:s24+$0x20]  }
0x2f: {  	v10 =	vld [tilespmem:s24+$0x30]  }
0x30: {  	v2 =	vld [tilespmem:s24+$0x40]  }
0x31: {  	v3 =	vld [tilespmem:s24+$0x50]  }
0x32: {  	v8 =	vld [tilespmem:s24+$0xFFFFFF80]  }
0x33: {  	v13 =	vld [tilespmem:s24+$0xFFFFFF90]  }
0x34: {  	v14 =	vld [tilespmem:s24+$0xFFFFFF00]  }
0x35: {  	v15 =	vld [tilespmem:s24+$0xFFFFFF10]  }
0x36: {  	v16 =	vld [tilespmem:s24+$0xFFFFFF20]  }
0x37: {  	v17 =	vld [tilespmem:s24+$0xFFFFFF30]  }
0x38: {  	v18 =	vld [tilespmem:s24+$0xFFFFFFA0]  }
0x39: {  	v19 =	vld [tilespmem:s24+$0xFFFFFFB0]  }
0x3a: {  	v20 =	vimm.f32 $0.0e+00;
	v21 =	vld [tilespmem:s24+$0xFFFFFFC0]  }
0x3b: {  	v22 =	vld [tilespmem:s24+$0xFFFFFFD0];
	v14 =	vadd.f32 v14, v20;
	v15 =	vadd.f32 v15, v20  }
0x3c: {  	v23 =	vld [tilespmem:s24+$0xFFFFFF40];
	v16 =	vadd.f32 v16, v20;
	v17 =	vadd.f32 v17, v20  }
0x3d: {  	v24 =	vld [tilespmem:s24+$0xFFFFFF50];
	v8 =	vadd.f32 v8, v14;
	v13 =	vadd.f32 v13, v15  }
0x3e: {  	v14 =	vld [tilespmem:s24+$0xFFFFFF60];
	v15 =	vadd.f32 v18, v16;
	v16 =	vadd.f32 v19, v17  }
0x3f: {  	v17 =	vld [tilespmem:s24+$0xFFFFFF70];
	v6 =	vadd.f32 v6, v8;
	v13 =	vadd.f32 v7, v13  }
0x40: {  	v8 =	vld [tilespmem:s24+$0xFFFFFFE0];
	v15 =	vadd.f32 v9, v15;
	v16 =	vadd.f32 v10, v16  }
0x41: {  	v10 =	vld [tilespmem:s24+$0xFFFFFFF0];
	v7 =	vadd.f32 v4, v6;
	v6 =	vadd.f32 v5, v13  }
0x42: {  	v9 =	vld [tilespmem:s24+$0x60];
	v5 =	vadd.f32 v11, v15;
	v4 =	vadd.f32 v12, v16  }
0x43: {  	v13 =	vadd.f32 v23, v20;
	v16 =	vadd.f32 v24, v20;
	v12 =	vld [tilespmem:s24+$0x70]  }
0x44: {  	v11 =	vld [tilespmem:s24+$0xE0];
	v15 =	vadd.f32 v14, v20;
	v14 =	vadd.f32 v17, v20  }
0x45: {  	s23 =	simm.s32 $0x0;
	s22 =	sshll.u32 s20, $0x1;
	v17 =	vadd.f32 v21, v13;
	v16 =	vadd.f32 v22, v16;
	v13 =	vld [tilespmem:s24+$0xF0];
	s24 =	simm.s32 $0x6700  }
.LBB2_3:
0x46: {  	v18 =	vld [tilespmem:s24+$0x80];
	v8 =	vadd.f32 v8, v15;
	v10 =	vadd.f32 v10, v14  }
0x47: {  	v14 =	vld [tilespmem:s24+$0x90];
	v2 =	vadd.f32 v2, v17;
	v3 =	vadd.f32 v3, v16  }
0x48: {  	v15 =	vld [tilespmem:s24+$0xA0];
	v8 =	vadd.f32 v9, v8;
	v9 =	vadd.f32 v12, v10  }
0x49: {  	v12 =	vld [tilespmem:s24+$0xB0];
	v16 =	vadd.f32 v0, v2;
	v17 =	vadd.f32 v1, v3  }
0x4a: {  	v0 =	vld [tilespmem:s24+$0xC0];
	v11 =	vadd.f32 v11, v8;
	v13 =	vadd.f32 v13, v9  }
0x4b: {  	v1 =	vld [tilespmem:s24+$0xD0]  }
0x4c: {  	v8 =	vld [tilespmem:s24+$0x0]  }
0x4d: {  	v9 =	vld [tilespmem:s24+$0x10]  }
0x4e: {  	v10 =	vld [tilespmem:s24+$0x20]  }
0x4f: {  	v19 =	vld [tilespmem:s24+$0x30]  }
0x50: {  	v2 =	vld [tilespmem:s24+$0x40]  }
0x51: {  	v3 =	vld [tilespmem:s24+$0x50]  }
0x52: {  	v20 =	vld [tilespmem:s24+$0xFFFFFF80]  }
0x53: {  	v21 =	vld [tilespmem:s24+$0xFFFFFF90]  }
0x54: {  	v22 =	vld [tilespmem:s24+$0xFFFFFF00]  }
0x55: {  	v23 =	vld [tilespmem:s24+$0xFFFFFF10]  }
0x56: {  	v24 =	vld [tilespmem:s24+$0xFFFFFF20]  }
0x57: {  	v25 =	vld [tilespmem:s24+$0xFFFFFF30]  }
0x58: {  	v26 =	vld [tilespmem:s24+$0xFFFFFFA0]  }
0x59: {  	v27 =	vld [tilespmem:s24+$0xFFFFFFB0]  }
0x5a: {  	v28 =	vld [tilespmem:s24+$0xFFFFFFC0]  }
0x5b: {  	v7 =	vadd.f32 v22, v7;
	v6 =	vadd.f32 v23, v6;
	v22 =	vld [tilespmem:s24+$0xFFFFFFD0]  }
0x5c: {  	v5 =	vadd.f32 v24, v5;
	v4 =	vadd.f32 v25, v4;
	v23 =	vld [tilespmem:s24+$0xFFFFFF40]  }
0x5d: {  	v7 =	vadd.f32 v20, v7;
	v6 =	vadd.f32 v21, v6;
	v24 =	vld [tilespmem:s24+$0xFFFFFF50]  }
0x5e: {  	v5 =	vadd.f32 v26, v5;
	v20 =	vld [tilespmem:s24+$0xFFFFFF60];
	v4 =	vadd.f32 v27, v4  }
0x5f: {  	s23 =	sadd.s32 $0x4, s23;
	v7 =	vadd.f32 v8, v7;
	v6 =	vadd.f32 v9, v6;
	v21 =	vld [tilespmem:s24+$0xFFFFFF70]  }
0x60: {  	p0 =	slt.u32 s23, $0x60;
	v5 =	vadd.f32 v10, v5;
	v8 =	vld [tilespmem:s24+$0xFFFFFFE0];
	v4 =	vadd.f32 v19, v4  }
.Ltmp0:
0x61: {  	v7 =	vadd.f32 v18, v7;
	v6 =	vadd.f32 v14, v6;
	v10 =	vld [tilespmem:s24+$0xFFFFFFF0];
	(pc) =	sbr.rel @p0 .LBB2_3-.Ltmp0, $4  }
0x62: {  	v5 =	vadd.f32 v15, v5;
	v9 =	vld [tilespmem:s24+$0x60];
	v4 =	vadd.f32 v12, v4  }
0x63: {  	v16 =	vadd.f32 v23, v16;
	v18 =	vadd.f32 v24, v17;
	v12 =	vld [tilespmem:s24+$0x70]  }
0x64: {  	v15 =	vadd.f32 v20, v11;
	v14 =	vadd.f32 v21, v13;
	v11 =	vld [tilespmem:s24+$0xE0]  }
0x65: {  	v17 =	vadd.f32 v28, v16;
	v16 =	vadd.f32 v22, v18;
	v13 =	vld [tilespmem:s24+$0xF0];
	s24 =	sadd.s32 $0x200, s24  }
0x66: {  	_ = 	snop  }
0x67: {  	v8 =	vadd.f32 v8, v15;
	v2 =	vadd.f32 v2, v17  }
0x68: {  	v10 =	vadd.f32 v10, v14;
	v3 =	vadd.f32 v3, v16  }
0x69: {  	v8 =	vadd.f32 v9, v8;
	v0 =	vadd.f32 v0, v2  }
0x6a: {  	v2 =	vadd.f32 v12, v10;
	v1 =	vadd.f32 v1, v3  }
0x6b: {  	s23 =	sshll.u32 s20, $0x7;
	v3 =	vadd.f32 v11, v8;
	v0 =	vadd.f32 v0, v7  }
0x6c: {  	p0 =	seq.s32 s20, $0x3F;
	s23 =	sand.u32 $0x3FFFFF80, s23;
	v2 =	vadd.f32 v13, v2;
	v1 =	vadd.f32 v1, v6  }
0x6d: {  	s22 =	sadd.s32 @!p0 $0x2, s22;
	[tilespmem:s23+$0xC800] =	vst v0;
	v0 =	vadd.f32 v3, v5  }
0x6e: {  	s24 =	sshll.u32 @!p0 s22, $0x7;
	s22 =	smul.u32 @!p0 $0x120, s22;
	[tilespmem:s23+$0xC810] =	vst v1;
	v1 =	vadd.f32 v2, v4  }
0x6f: {  	s25 =	simm.s32 @!p0 $0x6400;
	[tilespmem:s23+$0xC820] =	vst v0  }
0x70: {  	s24 =	sand.u32 @!p0 $0x3FFFFF80, s24;
	s22 =	sshra.s32 @!p0 s22, $0x2;
	[tilespmem:s23+$0xC830] =	vst v1;
	s23 =	simm.s32 @!p0 $0x80  }
0x71: {  	[tilespmem:s25], [sflag:$0x1] =	stream.indirect.gather @!p0 [hbm4b:s3+s23], $0x40, s24, s23, $0xb8;
	[tilespmem:$0xE800] =	vst v63  }
0x72: {  	s22 =	sadd.s32 @!p0 $0x4000, s22;
	s23 =	simm.s32 @!p0 $0x48;
	s24 =	simm.s32 @!p0 $0x8400  }
0x73: {  	[tilespmem:s24], [sflag:$0x1] =	stream.indirect.gather @!p0 [hbm4b:s3+s23], $0x40, s22, s23, $0xb8;
	[tilespmem:$0xE800] =	vst v63  }
0x74: {  	_ =	swait.ge [sflag:s17], $0x2000  }
0x75: {  	[sflag:s17] =	ssyncset.done $0x0  }
0x76: {  	[sflag:s17] =	ssyncadd.s32 $0xFFFFE000  }
0x77: {  	_ =	swait.ge [sflag:s17], $0x1200  }
0x78: {  	[sflag:s17] =	ssyncset.done $0x0  }
0x79: {  	s31 =	simm.s32 $0x9700;
	[sflag:s17] =	ssyncadd.s32 $0xFFFFEE00  }
0x7a: {  	v4 =	vld [tilespmem:s31+$0x80]  }
0x7b: {  	v5 =	vld [tilespmem:s31+$0x90]  }
0x7c: {  	v6 =	vld [tilespmem:s31+$0xA0]  }
0x7d: {  	v11 =	vld [tilespmem:s31+$0xB0]  }
0x7e: {  	v0 =	vld [tilespmem:s31+$0xC0]  }
0x7f: {  	v1 =	vld [tilespmem:s31+$0xD0]  }
0x80: {  	v7 =	vld [tilespmem:s31+$0x0]  }
0x81: {  	v8 =	vld [tilespmem:s31+$0x10]  }
0x82: {  	v9 =	vld [tilespmem:s31+$0x20]  }
0x83: {  	v10 =	vld [tilespmem:s31+$0x30]  }
0x84: {  	v2 =	vld [tilespmem:s31+$0x40]  }
0x85: {  	v3 =	vld [tilespmem:s31+$0x50]  }
0x86: {  	v12 =	vld [tilespmem:s31+$0xFFFFFF80]  }
0x87: {  	v13 =	vld [tilespmem:s31+$0xFFFFFF90]  }
0x88: {  	v14 =	vld [tilespmem:s31+$0xFFFFFF00]  }
0x89: {  	v15 =	vld [tilespmem:s31+$0xFFFFFF10]  }
0x8a: {  	v16 =	vld [tilespmem:s31+$0xFFFFFF20]  }
0x8b: {  	v17 =	vld [tilespmem:s31+$0xFFFFFF30]  }
0x8c: {  	v18 =	vld [tilespmem:s31+$0xFFFFFFA0]  }
0x8d: {  	v19 =	vld [tilespmem:s31+$0xFFFFFFB0]  }
0x8e: {  	v20 =	vimm.f32 $0.0e+00;
	v21 =	vld [tilespmem:s31+$0xFFFFFFC0]  }
0x8f: {  	v22 =	vld [tilespmem:s31+$0xFFFFFFD0];
	v14 =	vadd.f32 v14, v20;
	v15 =	vadd.f32 v15, v20  }
0x90: {  	v24 =	vld [tilespmem:s31+$0xFFFFFF50];
	v16 =	vadd.f32 v16, v20;
	v17 =	vadd.f32 v17, v20  }
0x91: {  	v23 =	vld [tilespmem:s31+$0xFFFFFF40];
	v12 =	vadd.f32 v12, v14;
	v13 =	vadd.f32 v13, v15  }
0x92: {  	v14 =	vld [tilespmem:s31+$0xFFFFFF60];
	v15 =	vadd.f32 v18, v16;
	v16 =	vadd.f32 v19, v17  }
0x93: {  	v17 =	vld [tilespmem:s31+$0xFFFFFF70];
	v7 =	vadd.f32 v7, v12;
	v12 =	vadd.f32 v8, v13  }
0x94: {  	v8 =	vld [tilespmem:s31+$0xFFFFFFE0];
	v13 =	vadd.f32 v9, v15;
	v15 =	vadd.f32 v10, v16  }
0x95: {  	v10 =	vld [tilespmem:s31+$0xFFFFFFF0];
	v16 =	vadd.f32 v24, v20;
	v7 =	vadd.f32 v4, v7  }
0x96: {  	v9 =	vld [tilespmem:s31+$0x60];
	v5 =	vadd.f32 v5, v12;
	v6 =	vadd.f32 v6, v13  }
0x97: {  	v4 =	vadd.f32 v11, v15;
	v13 =	vadd.f32 v23, v20;
	v12 =	vld [tilespmem:s31+$0x70]  }
0x98: {  	v11 =	vld [tilespmem:s31+$0xE0];
	v15 =	vadd.f32 v14, v20;
	v14 =	vadd.f32 v17, v20  }
0x99: {  	s22 =	simm.s32 $0x0;
	s23 =	simm.s32 $0x9900;
	v16 =	vadd.f32 v22, v16;
	v17 =	vadd.f32 v21, v13;
	v13 =	vld [tilespmem:s31+$0xF0]  }
.LBB2_5:
0x9a: {  	v18 =	vld [tilespmem:s23+$0x80];
	v8 =	vadd.f32 v8, v15;
	v10 =	vadd.f32 v10, v14  }
0x9b: {  	v14 =	vld [tilespmem:s23+$0x90];
	v2 =	vadd.f32 v2, v17;
	v3 =	vadd.f32 v3, v16  }
0x9c: {  	v15 =	vld [tilespmem:s23+$0xA0];
	v8 =	vadd.f32 v9, v8;
	v9 =	vadd.f32 v12, v10  }
0x9d: {  	v12 =	vld [tilespmem:s23+$0xB0];
	v16 =	vadd.f32 v0, v2;
	v17 =	vadd.f32 v1, v3  }
0x9e: {  	v0 =	vld [tilespmem:s23+$0xC0];
	v11 =	vadd.f32 v11, v8;
	v13 =	vadd.f32 v13, v9  }
0x9f: {  	v1 =	vld [tilespmem:s23+$0xD0]  }
0xa0: {  	v8 =	vld [tilespmem:s23+$0x0]  }
0xa1: {  	v9 =	vld [tilespmem:s23+$0x10]  }
0xa2: {  	v10 =	vld [tilespmem:s23+$0x20]  }
0xa3: {  	v19 =	vld [tilespmem:s23+$0x30]  }
0xa4: {  	v2 =	vld [tilespmem:s23+$0x40]  }
0xa5: {  	v3 =	vld [tilespmem:s23+$0x50]  }
0xa6: {  	v20 =	vld [tilespmem:s23+$0xFFFFFF80]  }
0xa7: {  	v21 =	vld [tilespmem:s23+$0xFFFFFF90]  }
0xa8: {  	v22 =	vld [tilespmem:s23+$0xFFFFFF00]  }
0xa9: {  	v23 =	vld [tilespmem:s23+$0xFFFFFF10]  }
0xaa: {  	v24 =	vld [tilespmem:s23+$0xFFFFFF20]  }
0xab: {  	v25 =	vld [tilespmem:s23+$0xFFFFFF30]  }
0xac: {  	v26 =	vld [tilespmem:s23+$0xFFFFFFA0]  }
0xad: {  	v27 =	vld [tilespmem:s23+$0xFFFFFFB0]  }
0xae: {  	v28 =	vld [tilespmem:s23+$0xFFFFFFC0]  }
0xaf: {  	v7 =	vadd.f32 v22, v7;
	v5 =	vadd.f32 v23, v5;
	v22 =	vld [tilespmem:s23+$0xFFFFFFD0]  }
0xb0: {  	v6 =	vadd.f32 v24, v6;
	v4 =	vadd.f32 v25, v4;
	v23 =	vld [tilespmem:s23+$0xFFFFFF40]  }
0xb1: {  	v7 =	vadd.f32 v20, v7;
	v5 =	vadd.f32 v21, v5;
	v24 =	vld [tilespmem:s23+$0xFFFFFF50]  }
0xb2: {  	v6 =	vadd.f32 v26, v6;
	v20 =	vld [tilespmem:s23+$0xFFFFFF60];
	v4 =	vadd.f32 v27, v4  }
0xb3: {  	s22 =	sadd.s32 $0x4, s22;
	v7 =	vadd.f32 v8, v7;
	v5 =	vadd.f32 v9, v5;
	v21 =	vld [tilespmem:s23+$0xFFFFFF70]  }
0xb4: {  	p0 =	slt.u32 s22, $0x60;
	v6 =	vadd.f32 v10, v6;
	v8 =	vld [tilespmem:s23+$0xFFFFFFE0];
	v4 =	vadd.f32 v19, v4  }
.Ltmp1:
0xb5: {  	v7 =	vadd.f32 v18, v7;
	v5 =	vadd.f32 v14, v5;
	v10 =	vld [tilespmem:s23+$0xFFFFFFF0];
	(pc) =	sbr.rel @p0 .LBB2_5-.Ltmp1, $4  }
0xb6: {  	v6 =	vadd.f32 v15, v6;
	v9 =	vld [tilespmem:s23+$0x60];
	v4 =	vadd.f32 v12, v4  }
0xb7: {  	v16 =	vadd.f32 v23, v16;
	v18 =	vadd.f32 v24, v17;
	v12 =	vld [tilespmem:s23+$0x70]  }
0xb8: {  	v15 =	vadd.f32 v20, v11;
	v14 =	vadd.f32 v21, v13;
	v11 =	vld [tilespmem:s23+$0xE0]  }
0xb9: {  	v17 =	vadd.f32 v28, v16;
	v16 =	vadd.f32 v22, v18;
	v13 =	vld [tilespmem:s23+$0xF0];
	s23 =	sadd.s32 $0x200, s23  }
0xba: {  	_ = 	snop  }
0xbb: {  	v8 =	vadd.f32 v8, v15;
	v2 =	vadd.f32 v2, v17  }
0xbc: {  	v10 =	vadd.f32 v10, v14;
	v3 =	vadd.f32 v3, v16  }
0xbd: {  	v8 =	vadd.f32 v9, v8;
	v0 =	vadd.f32 v0, v2  }
0xbe: {  	s20 =	sadd.s32 $0x1, s20;
	v60 =	vadd.f32 v12, v10;
	v1 =	vadd.f32 v1, v3  }
0xbf: {  	s21 =	sshll.u32 s21, $0x6;
	p0 =	sne.s32 s20, $0x40;
	v61 =	vadd.f32 v11, v8;
	v0 =	vadd.f32 v0, v7  }
.Ltmp2:
0xc0: {  	s21 =	sand.u32 $0x3FFFFFC0, s21;
	v2 =	vadd.f32 v13, v60;
	v1 =	vadd.f32 v1, v5;
	(pc) =	sbr.rel @p0 .LBB2_2-.Ltmp2, $4  }
0xc1: {  	v62 =	vadd.f32 v61, v6;
	[tilespmem:s21+$0xC800] =	vst v0  }
0xc2: {  	v63 =	vadd.f32 v2, v4;
	[tilespmem:s21+$0xC810] =	vst v1  }
0xc3: {  	[tilespmem:s21+$0xC820] =	vst v62  }
0xc4: {  	[tilespmem:s21+$0xC830] =	vst v63  }
0xc5: {  	s19 =	sadd.s32 $0x1, s19  }
0xc6: {  	p0 =	sne.s32 s19, s7  }
.Ltmp3:
0xc7: {  	_ = 	snop;
	(pc) =	sbr.rel @p0 .LBB2_1-.Ltmp3, $4  }
0xc8: {  	[hbm4b:s6+s2] =	stream.linear.scatter [tilespmem:s18], [sflag:$0x3], $0x2000, $0x38;
	[tilespmem:$0xE800] =	vst v63  }
0xc9: {  	_ =	swait.ge [sflag:s8], $0x2000  }
0xca: {  	[sflag:s8] =	ssyncset.done $0x0  }
0xcb: {  	[sflag:s8] =	ssyncadd.s32 $0xFFFFE000  }
0xcc: {  	_ =	sfence.sel $0x180000  }
0xcd: {  	[bflag:$0x0] =	sbarrier.arrive $0xFFFF  }
0xce: {  	p0 =	sne.s32 s0, $0x0;
	_ =	strace $0x90000047  }
0xcf: {  	s0 =	sadd.s32 @!p0 $0x100000, s1;
	[bflag:$0x2] =	sbarrier.arrive $0xFFFF  }
0xd0: {  	[sflag:s0] =	ssyncadd.tile.s32 @!p0 $0x1;
	_ =	shalt  }
.Lfunc_end2:
_tile_overlayer_lowered:
.L_overlay_start_2:
0xd1: {  	(tag) =	ssettag $0x2  }
0xd2: {  	s0 =	rddreg [dreg:$0x0];
	s2 =	stileid.u32  }
0xd3: {  	s1 =	rddreg [dreg:$0x1];
	p0 =	sne.s32 s2, $0x0  }
0xd4: {  	s3 =	rddreg [dreg:$0x2];
	[bflag:$0x3] =	sbarrier.arrive $0xFFFF;
	s2 =	simm.s32 @!p0 $0x1C03  }
0xd5: {  	[timem:s3], [sflag:s2] =	dma.local @!p0 [hbm:s0], s1  }
0xd6: {  	s0 =	simm.s32 @!p0 $0x3  }
0xd7: {  	_ =	swait.ge @!p0 [sflag:s0], s1  }
0xd8: {  	s1 =	ssub.s32 @!p0 $0x0, s1;
	[sflag:s0] =	ssyncset.done @!p0 $0x0  }
0xd9: {  	[sflag:s0] =	ssyncadd.s32 @!p0 s1  }
0xda: {  	[bflag:$0x3] =	sbarrier.arrive $0xFFFF  }
0xdb: {  	_ =	shalt  }

</sc_bundles>
